<compile_context>
chip_gen: v7x
topology: tpu7x:2x2x1
jax: 0.10.2.dev20260603
libtpu: 0.0.44.dev20260713+nightly
codegen_flags: <defaults>
</compile_context>

<pallas_src>
import functools

import jax
import jax.numpy as jnp
from jax import lax
from jax.experimental import pallas as pl
from jax.experimental.pallas import tpu as pltpu
from jax.experimental.pallas import tpu_sc as plsc

B, N, D = 8, 4096, 768
C = 16
NUM_CLASSES = 2
NOR_INDEX = 0
THR = 0.8

BN = B * N
NC, NS, L = 2, 16, 16
NW = NC * NS
CHUNK = BN // NW
GROUPS = CHUNK // L
TILES_PER_B = N // CHUNK
PLANE = C * L

TN = 4096


def _proj_body(wt_ref, x_ref, o0_ref, o1_ref):
    p = lax.dot_general(wt_ref[...], x_ref[...],
                        (((1,), (1,)), ((), ())),
                        preferred_element_type=jnp.float32)
    o0_ref[...] = p[0:1, :]
    o1_ref[...] = p[1:2, :]


def _project(x2, wt):
    return pl.pallas_call(
        _proj_body,
        grid=(BN // TN,),
        in_specs=[
            pl.BlockSpec((NUM_CLASSES, D), lambda i: (0, 0)),
            pl.BlockSpec((TN, D), lambda i: (i, 0)),
        ],
        out_specs=[
            pl.BlockSpec((1, TN), lambda i: (0, i)),
            pl.BlockSpec((1, TN), lambda i: (0, i)),
        ],
        out_shape=[
            jax.ShapeDtypeStruct((1, BN), jnp.float32),
            jax.ShapeDtypeStruct((1, BN), jnp.float32),
        ],
    )(wt, x2)


def _sc_body(p0_hbm, p1_hbm, idx_hbm, b_hbm, out_hbm,
             idx_v, v0, v1, red, land, bvec, outv, sem, shared):
    cid = lax.axis_index("c")
    sid = lax.axis_index("s")
    bb = cid * (B // NC) + sid // TILES_PER_B
    q = sid % TILES_PER_B
    base = bb * N + q * CHUNK

    h1 = pltpu.make_async_copy(idx_hbm.at[pl.ds(base, CHUNK)], idx_v, sem)
    h2 = pltpu.make_async_copy(p0_hbm.at[pl.ds(base, CHUNK)], v0, sem)
    h3 = pltpu.make_async_copy(p1_hbm.at[pl.ds(base, CHUNK)], v1, sem)
    h1.start()
    h2.start()
    h3.start()
    h1.wait()
    h2.wait()
    h3.wait()

    lanes = lax.iota(jnp.int32, L)
    zv = jnp.zeros((L,), jnp.float32)

    def body(j, carry):
        a0, a1, cn = carry
        s = j * L
        iv = idx_v[pl.ds(s, L)]
        x0 = v0[pl.ds(s, L)]
        x1 = v1[pl.ds(s, L)]
        a0n, a1n, cnn = [], [], []
        for c in range(C):
            m = iv == c
            a0n.append(a0[c] + jnp.where(m, x0, 0.0))
            a1n.append(a1[c] + jnp.where(m, x1, 0.0))
            cnn.append(cn[c] + jnp.where(m, 1.0, 0.0))
        return tuple(a0n), tuple(a1n), tuple(cnn)

    init = (tuple([zv] * C), tuple([zv] * C), tuple([zv] * C))
    a0, a1, cn = lax.fori_loop(0, GROUPS, body, init)

    for p, plane in enumerate((a0, a1, cn)):
        vec = zv
        for c in range(C):
            vec = vec + jnp.where(lanes == c, jnp.sum(plane[c]), 0.0)
        red[pl.ds(p * C, L)] = vec

    pltpu.sync_copy(red, shared.at[pl.ds(sid * (3 * C), 3 * C)])
    plsc.subcore_barrier()

    @pl.when(q == 0)
    def _finalize():
        pltpu.sync_copy(shared.at[pl.ds(sid * (3 * C), TILES_PER_B * 3 * C)],
                        land)
        pltpu.sync_copy(b_hbm, bvec)
        s0 = (land[pl.ds(0, L)] + land[pl.ds(48, L)]
              + land[pl.ds(96, L)] + land[pl.ds(144, L)])
        s1 = (land[pl.ds(16, L)] + land[pl.ds(64, L)]
              + land[pl.ds(112, L)] + land[pl.ds(160, L)])
        cnt = (land[pl.ds(32, L)] + land[pl.ds(80, L)]
               + land[pl.ds(128, L)] + land[pl.ds(176, L)])
        cntc = jnp.maximum(cnt, 1.0)
        bv = bvec[pl.ds(0, L)]
        b0 = bv[0]
        b1 = bv[1]
        l0 = s0 / cntc + b0
        l1 = s1 / cntc + b1
        m = jnp.maximum(l0, l1)
        e0 = jnp.exp(l0 - m)
        e1 = jnp.exp(l1 - m)
        score = 1.0 - e0 / (e0 + e1)
        smax = jnp.max(score)
        smin = jnp.min(score)
        imax = plsc.all_reduce_ffs(score == smax)
        imin = plsc.all_reduce_ffs(score == smin)
        sel = jnp.where(smax < THR, imin, imax)
        pick = lanes == sel
        f0 = jnp.sum(jnp.where(pick, l0, 0.0))
        f1 = jnp.sum(jnp.where(pick, l1, 0.0))
        outv[pl.ds(0, L)] = (jnp.where(lanes == 0, f0, 0.0)
                             + jnp.where(lanes == 1, f1, 0.0))
        pltpu.sync_copy(outv, out_hbm.at[pl.ds(bb * L, L)])


@functools.lru_cache(maxsize=None)
def _get_sc_kernel():
    return pl.kernel(
        _sc_body,
        out_type=jax.ShapeDtypeStruct((B * L,), jnp.float32),
        mesh=plsc.VectorSubcoreMesh(core_axis_name="c", subcore_axis_name="s",
                                    num_cores=NC, num_subcores=NS),
        compiler_params=pltpu.CompilerParams(needs_layout_passes=False),
        scratch_types=[
            pltpu.VMEM((CHUNK,), jnp.int32),
            pltpu.VMEM((CHUNK,), jnp.float32),
            pltpu.VMEM((CHUNK,), jnp.float32),
            pltpu.VMEM((3 * C,), jnp.float32),
            pltpu.VMEM((TILES_PER_B * 3 * C,), jnp.float32),
            pltpu.VMEM((L,), jnp.float32),
            pltpu.VMEM((L,), jnp.float32),
            pltpu.SemaphoreType.DMA,
            pltpu.VMEM_SHARED((NS * 3 * C,), jnp.float32),
        ],
    )


@jax.jit
def kernel(inst_feat, clusters_idcs, W, b):
    x2 = inst_feat.reshape(BN, D)
    wt = W.T
    p0, p1 = _project(x2, wt)
    idx = clusters_idcs.astype(jnp.int32).reshape(BN)
    b16 = jnp.zeros((L,), jnp.float32).at[:NUM_CLASSES].set(b)
    out = _get_sc_kernel()(p0.reshape(BN), p1.reshape(BN), idx, b16)
    return out.reshape(B, L)[:, :NUM_CLASSES]

# --- scband reference (transcript-rebuilt; emitter-appended) ---
"""Pipeline reference for scband-rdd-transformer-18442589569744 (READ-ONLY COPY).

The authoritative reference and input builder live on the scoring server;
editing this copy changes nothing except your own understanding.
"""

import jax, jax.numpy as jnp
import numpy as np

B, N, D = 8, 4096, 768
C = 16
NUM_CLASSES = 2
NOR_INDEX = 0
THR = 0.8


def setup_inputs(seed: int = 0) -> dict:
    key = jax.random.key(seed)
    k1, k2, k3 = jax.random.split(key, 3)
    inst_feat = jax.random.normal(k1, (B, N, D), dtype=jnp.float32)
    clusters_idcs = jax.random.randint(k2, (B, N), 0, C).astype(jnp.int64)
    W = jax.random.normal(k3, (D, NUM_CLASSES), dtype=jnp.float32) * 0.02
    b = jnp.zeros((NUM_CLASSES,), dtype=jnp.float32)
    return {"inst_feat": inst_feat, "clusters_idcs": clusters_idcs, "W": W, "b": b}


def reference(inst_feat, clusters_idcs, W, b):
    # clusters_mask: [C, B, N] bool, mask[c,b,n] = (clusters_idcs[b,n] == c)
    mask = (clusters_idcs[None, :, :] == jnp.arange(C, dtype=clusters_idcs.dtype)[:, None, None])
    maskf = mask.astype(inst_feat.dtype)
    # get_cluster_feat_mask: masked average pool over instances per (b, c)
    sums = jnp.einsum('cbn,bnd->cbd', maskf, inst_feat)          # [C, B, D]
    counts = jnp.sum(maskf, axis=-1)                              # [C, B]
    feats_tmp = sums / jnp.maximum(counts, 1.0)[..., None]        # [C, B, D]
    # original loops b outer, cluster i inner -> order (b, c)
    feats_tmp = jnp.transpose(feats_tmp, (1, 0, 2)).reshape(-1, D)  # [B*C, D]
    # head + softmax
    logits = feats_tmp @ W + b                                    # [B*C, num_classes]
    probs = jax.nn.softmax(logits, axis=-1)
    scores = (1.0 - probs[:, NOR_INDEX]).reshape(B, C)            # [B, C]
    logits_bc = logits.reshape(B, C, NUM_CLASSES)
    # argmax mask; eval-mode: fall back to argmin if max score < thr
    max_idx = jnp.argmax(scores, axis=1)                          # [B]
    min_idx = jnp.argmin(scores, axis=1)                          # [B]
    max_scores = jnp.take_along_axis(scores, max_idx[:, None], axis=1)[:, 0]
    sel_idx = jnp.where(max_scores < THR, min_idx, max_idx)       # [B]
    feats = jnp.take_along_axis(logits_bc, sel_idx[:, None, None], axis=1)[:, 0, :]
    return feats.reshape(B, -1)

if __name__ == "__main__":
    import jax
    _d = setup_inputs()
    print(jax.jit(kernel)(*tuple(_d.values())))

</pallas_src>

<mosaic_0001>
#map = affine_map<(d0, d1) -> (0)>
module attributes {stable_mosaic.version = 14 : i64} {
  func.func @_sc_body(%arg0: i32, %arg1: i32, %arg2: memref<32768xf32, #tpu.memory_space<hbm>>, %arg3: memref<32768xf32, #tpu.memory_space<hbm>>, %arg4: memref<32768xi32, #tpu.memory_space<hbm>>, %arg5: memref<16xf32, #tpu.memory_space<hbm>>, %arg6: memref<128xf32, #tpu.memory_space<hbm>>, %arg7: memref<1024xi32, #tpu.memory_space<vmem>>, %arg8: memref<1024xf32, #tpu.memory_space<vmem>>, %arg9: memref<1024xf32, #tpu.memory_space<vmem>>, %arg10: memref<48xf32, #tpu.memory_space<vmem>>, %arg11: memref<192xf32, #tpu.memory_space<vmem>>, %arg12: memref<16xf32, #tpu.memory_space<vmem>>, %arg13: memref<16xf32, #tpu.memory_space<vmem>>, %arg14: memref<!tpu.dma_semaphore, #tpu.memory_space<semaphore_mem>>, %arg15: memref<768xf32, #tpu.memory_space<vmem_shared>>) attributes {dimension_semantics = [#tpu.dimension_semantics<core_parallel>, #tpu.dimension_semantics<subcore_parallel>], iteration_bounds = array<i64: 2, 16>, scalar_prefetch = 0 : i64, scratch_operands = 9 : i64, tpu.core_type = #tpu.core_type<sc_vector_subcore>, window_params = [{transform_indices = #map}, {transform_indices = #map}, {transform_indices = #map}, {transform_indices = #map}, {transform_indices = #map}]} {
    %mul3A = arith.constant 4 : i32
    %mul3A_0 = arith.muli %arg0, %mul3A : i32
    %jit3A = arith.constant 4 : i32
    %div3A = arith.divsi %arg1, %jit3A : i32
    %sign3A = arith.constant 0 : i32
    %sign3A_1 = arith.cmpi sgt, %arg1, %sign3A : i32
    %sign3A_2 = arith.extui %sign3A_1 : i1 to i32
    %sign3A_3 = arith.constant 0 : i32
    %sign3A_4 = arith.cmpi slt, %arg1, %sign3A_3 : i32
    %sign3A_5 = arith.extui %sign3A_4 : i1 to i32
    %sign3A_6 = arith.subi %sign3A_2, %sign3A_5 : i32
    %sign3A_7 = arith.constant 0 : i32
    %sign3A_8 = arith.cmpi sgt, %jit3A, %sign3A_7 : i32
    %sign3A_9 = arith.extui %sign3A_8 : i1 to i32
    %sign3A_10 = arith.constant 0 : i32
    %sign3A_11 = arith.cmpi slt, %jit3A, %sign3A_10 : i32
    %sign3A_12 = arith.extui %sign3A_11 : i1 to i32
    %sign3A_13 = arith.subi %sign3A_9, %sign3A_12 : i32
    %ne3A = arith.cmpi ne, %sign3A_6, %sign3A_13 : i32
    %rem3A = arith.remsi %arg1, %jit3A : i32
    %ne3A_14 = arith.constant 0 : i32
    %ne3A_15 = arith.cmpi ne, %rem3A, %ne3A_14 : i32
    %and3A = arith.andi %ne3A, %ne3A_15 : i1
    %sub3A = arith.constant 1 : i32
    %sub3A_16 = arith.subi %div3A, %sub3A : i32
    %select_n3A = arith.select %and3A, %sub3A_16, %div3A : i32
    %add3A = arith.addi %mul3A_0, %select_n3A : i32
    %jit3A_17 = arith.constant 4 : i32
    %eq3A = arith.constant 0 : i32
    %eq3A_18 = arith.cmpi eq, %jit3A_17, %eq3A : i32
    %jit3A_19 = arith.constant 1 : i32
    %select_n3A_20 = arith.select %eq3A_18, %jit3A_19, %jit3A_17 : i32
    %rem3A_21 = arith.remsi %arg1, %select_n3A_20 : i32
    %ne3A_22 = arith.constant 0 : i32
    %ne3A_23 = arith.cmpi ne, %rem3A_21, %ne3A_22 : i32
    %lt3A = arith.constant 0 : i32
    %lt3A_24 = arith.cmpi slt, %rem3A_21, %lt3A : i32
    %lt3A_25 = arith.constant 0 : i32
    %lt3A_26 = arith.cmpi slt, %select_n3A_20, %lt3A_25 : i32
    %ne3A_27 = arith.xori %lt3A_24, %lt3A_26 : i1
    %and3A_28 = arith.andi %ne3A_27, %ne3A_23 : i1
    %add3A_29 = arith.addi %rem3A_21, %select_n3A_20 : i32
    %select_n3A_30 = arith.select %and3A_28, %add3A_29, %rem3A_21 : i32
    %mul3A_31 = arith.constant 4096 : i32
    %mul3A_32 = arith.muli %add3A, %mul3A_31 : i32
    %mul3A_33 = arith.constant 1024 : i32
    %mul3A_34 = arith.muli %select_n3A_30, %mul3A_33 : i32
    %add3A_35 = arith.addi %mul3A_32, %mul3A_34 : i32
    %dma_start3A = tpu.memref_slice %arg4[%add3A_35] : memref<32768xi32, #tpu.memory_space<hbm>> -> memref<1024xi32, #tpu.memory_space<hbm>>
    %dma_start3A_36 = tpu.memref_slice %arg4[%add3A_35] : memref<32768xi32, #tpu.memory_space<hbm>> -> memref<1024xi32, #tpu.memory_space<hbm>>
    tpu.enqueue_dma source(%dma_start3A_36 : memref<1024xi32, #tpu.memory_space<hbm>>) target(%arg7 : memref<1024xi32, #tpu.memory_space<vmem>>) target_semaphore(%arg14 : memref<!tpu.dma_semaphore, #tpu.memory_space<semaphore_mem>>)
    %dma_start3A_37 = tpu.memref_slice %arg2[%add3A_35] : memref<32768xf32, #tpu.memory_space<hbm>> -> memref<1024xf32, #tpu.memory_space<hbm>>
    %dma_start3A_38 = tpu.memref_slice %arg2[%add3A_35] : memref<32768xf32, #tpu.memory_space<hbm>> -> memref<1024xf32, #tpu.memory_space<hbm>>
    tpu.enqueue_dma source(%dma_start3A_38 : memref<1024xf32, #tpu.memory_space<hbm>>) target(%arg8 : memref<1024xf32, #tpu.memory_space<vmem>>) target_semaphore(%arg14 : memref<!tpu.dma_semaphore, #tpu.memory_space<semaphore_mem>>)
    %dma_start3A_39 = tpu.memref_slice %arg3[%add3A_35] : memref<32768xf32, #tpu.memory_space<hbm>> -> memref<1024xf32, #tpu.memory_space<hbm>>
    %dma_start3A_40 = tpu.memref_slice %arg3[%add3A_35] : memref<32768xf32, #tpu.memory_space<hbm>> -> memref<1024xf32, #tpu.memory_space<hbm>>
    tpu.enqueue_dma source(%dma_start3A_40 : memref<1024xf32, #tpu.memory_space<hbm>>) target(%arg9 : memref<1024xf32, #tpu.memory_space<vmem>>) target_semaphore(%arg14 : memref<!tpu.dma_semaphore, #tpu.memory_space<semaphore_mem>>)
    %dma_wait3A = tpu.memref_slice %arg4[%add3A_35] : memref<32768xi32, #tpu.memory_space<hbm>> -> memref<1024xi32, #tpu.memory_space<hbm>>
    %dma_wait3A_41 = tpu.memref_slice %arg4[%add3A_35] : memref<32768xi32, #tpu.memory_space<hbm>> -> memref<1024xi32, #tpu.memory_space<hbm>>
    tpu.wait_dma2 semaphore(%arg14 : memref<!tpu.dma_semaphore, #tpu.memory_space<semaphore_mem>>) src(%dma_wait3A_41 : memref<1024xi32, #tpu.memory_space<hbm>>) dst(%arg7 : memref<1024xi32, #tpu.memory_space<vmem>>)
    %dma_wait3A_42 = tpu.memref_slice %arg2[%add3A_35] : memref<32768xf32, #tpu.memory_space<hbm>> -> memref<1024xf32, #tpu.memory_space<hbm>>
    %dma_wait3A_43 = tpu.memref_slice %arg2[%add3A_35] : memref<32768xf32, #tpu.memory_space<hbm>> -> memref<1024xf32, #tpu.memory_space<hbm>>
    tpu.wait_dma2 semaphore(%arg14 : memref<!tpu.dma_semaphore, #tpu.memory_space<semaphore_mem>>) src(%dma_wait3A_43 : memref<1024xf32, #tpu.memory_space<hbm>>) dst(%arg8 : memref<1024xf32, #tpu.memory_space<vmem>>)
    %dma_wait3A_44 = tpu.memref_slice %arg3[%add3A_35] : memref<32768xf32, #tpu.memory_space<hbm>> -> memref<1024xf32, #tpu.memory_space<hbm>>
    %dma_wait3A_45 = tpu.memref_slice %arg3[%add3A_35] : memref<32768xf32, #tpu.memory_space<hbm>> -> memref<1024xf32, #tpu.memory_space<hbm>>
    tpu.wait_dma2 semaphore(%arg14 : memref<!tpu.dma_semaphore, #tpu.memory_space<semaphore_mem>>) src(%dma_wait3A_45 : memref<1024xf32, #tpu.memory_space<hbm>>) dst(%arg9 : memref<1024xf32, #tpu.memory_space<vmem>>)
    %iota3A = tpu.iota {dimensions = array<i32: 0>} : vector<16xi32>
    %broadcast_in_dim3A = arith.constant 0.000000e+00 : f32
    %broadcast_in_dim3A_46 = vector.broadcast %broadcast_in_dim3A : f32 to vector<16xf32>
    %scan3A = arith.constant 0 : i32
    %scan3A_47 = arith.constant 64 : i32
    %scan3A_48 = arith.addi %scan3A, %scan3A_47 : i32
    %scan3A_49 = arith.constant 1 : i32
    %scan3A_50:48 = scf.for %scan3A_637 = %scan3A to %scan3A_48 step %scan3A_49 iter_args(%scan3A_638 = %broadcast_in_dim3A_46, %scan3A_639 = %broadcast_in_dim3A_46, %scan3A_640 = %broadcast_in_dim3A_46, %scan3A_641 = %broadcast_in_dim3A_46, %scan3A_642 = %broadcast_in_dim3A_46, %scan3A_643 = %broadcast_in_dim3A_46, %scan3A_644 = %broadcast_in_dim3A_46, %scan3A_645 = %broadcast_in_dim3A_46, %scan3A_646 = %broadcast_in_dim3A_46, %scan3A_647 = %broadcast_in_dim3A_46, %scan3A_648 = %broadcast_in_dim3A_46, %scan3A_649 = %broadcast_in_dim3A_46, %scan3A_650 = %broadcast_in_dim3A_46, %scan3A_651 = %broadcast_in_dim3A_46, %scan3A_652 = %broadcast_in_dim3A_46, %scan3A_653 = %broadcast_in_dim3A_46, %scan3A_654 = %broadcast_in_dim3A_46, %scan3A_655 = %broadcast_in_dim3A_46, %scan3A_656 = %broadcast_in_dim3A_46, %scan3A_657 = %broadcast_in_dim3A_46, %scan3A_658 = %broadcast_in_dim3A_46, %scan3A_659 = %broadcast_in_dim3A_46, %scan3A_660 = %broadcast_in_dim3A_46, %scan3A_661 = %broadcast_in_dim3A_46, %scan3A_662 = %broadcast_in_dim3A_46, %scan3A_663 = %broadcast_in_dim3A_46, %scan3A_664 = %broadcast_in_dim3A_46, %scan3A_665 = %broadcast_in_dim3A_46, %scan3A_666 = %broadcast_in_dim3A_46, %scan3A_667 = %broadcast_in_dim3A_46, %scan3A_668 = %broadcast_in_dim3A_46, %scan3A_669 = %broadcast_in_dim3A_46, %scan3A_670 = %broadcast_in_dim3A_46, %scan3A_671 = %broadcast_in_dim3A_46, %scan3A_672 = %broadcast_in_dim3A_46, %scan3A_673 = %broadcast_in_dim3A_46, %scan3A_674 = %broadcast_in_dim3A_46, %scan3A_675 = %broadcast_in_dim3A_46, %scan3A_676 = %broadcast_in_dim3A_46, %scan3A_677 = %broadcast_in_dim3A_46, %scan3A_678 = %broadcast_in_dim3A_46, %scan3A_679 = %broadcast_in_dim3A_46, %scan3A_680 = %broadcast_in_dim3A_46, %scan3A_681 = %broadcast_in_dim3A_46, %scan3A_682 = %broadcast_in_dim3A_46, %scan3A_683 = %broadcast_in_dim3A_46, %scan3A_684 = %broadcast_in_dim3A_46, %scan3A_685 = %broadcast_in_dim3A_46) -> (vector<16xf32>, vector<16xf32>, vector<16xf32>, vector<16xf32>, vector<16xf32>, vector<16xf32>, vector<16xf32>, vector<16xf32>, vector<16xf32>, vector<16xf32>, vector<16xf32>, vector<16xf32>, vector<16xf32>, vector<16xf32>, vector<16xf32>, vector<16xf32>, vector<16xf32>, vector<16xf32>, vector<16xf32>, vector<16xf32>, vector<16xf32>, vector<16xf32>, vector<16xf32>, vector<16xf32>, vector<16xf32>, vector<16xf32>, vector<16xf32>, vector<16xf32>, vector<16xf32>, vector<16xf32>, vector<16xf32>, vector<16xf32>, vector<16xf32>, vector<16xf32>, vector<16xf32>, vector<16xf32>, vector<16xf32>, vector<16xf32>, vector<16xf32>, vector<16xf32>, vector<16xf32>, vector<16xf32>, vector<16xf32>, vector<16xf32>, vector<16xf32>, vector<16xf32>, vector<16xf32>, vector<16xf32>)  : i32 {
      %mul3A_686 = arith.constant 16 : i32
      %mul3A_687 = arith.muli %scan3A_637, %mul3A_686 : i32
      %get3A = arith.index_cast %mul3A_687 : i32 to index
      %get3A_688 = tpu.vector_load %arg7[%get3A] {strides = array<i32>} : memref<1024xi32, #tpu.memory_space<vmem>>, vector<16xi32>,
      %get3A_689 = arith.index_cast %mul3A_687 : i32 to index
      %get3A_690 = tpu.vector_load %arg8[%get3A_689] {strides = array<i32>} : memref<1024xf32, #tpu.memory_space<vmem>>, vector<16xf32>,
      %get3A_691 = arith.index_cast %mul3A_687 : i32 to index
      %get3A_692 = tpu.vector_load %arg9[%get3A_691] {strides = array<i32>} : memref<1024xf32, #tpu.memory_space<vmem>>, vector<16xf32>,
      %eq3A_693 = arith.constant 0 : i32
      %eq3A_694 = vector.broadcast %eq3A_693 : i32 to vector<16xi32>
      %eq3A_695 = arith.cmpi eq, %get3A_688, %eq3A_694 : vector<16xi32>
      %jit3A_696 = arith.constant 0.000000e+00 : f32
      %broadcast_in_dim3A_697 = vector.broadcast %jit3A_696 : f32 to vector<16xf32>
      %select_n3A_698 = arith.select %eq3A_695, %get3A_690, %broadcast_in_dim3A_697 : vector<16xi1>, vector<16xf32>
      %add3A_699 = arith.addf %scan3A_638, %select_n3A_698 : vector<16xf32>
      %jit3A_700 = arith.constant 0.000000e+00 : f32
      %broadcast_in_dim3A_701 = vector.broadcast %jit3A_700 : f32 to vector<16xf32>
      %select_n3A_702 = arith.select %eq3A_695, %get3A_692, %broadcast_in_dim3A_701 : vector<16xi1>, vector<16xf32>
      %add3A_703 = arith.addf %scan3A_654, %select_n3A_702 : vector<16xf32>
      %jit3A_704 = arith.constant 1.000000e+00 : f32
      %jit3A_705 = arith.constant 0.000000e+00 : f32
      %broadcast_in_dim3A_706 = vector.broadcast %jit3A_704 : f32 to vector<16xf32>
      %broadcast_in_dim3A_707 = vector.broadcast %jit3A_705 : f32 to vector<16xf32>
      %select_n3A_708 = arith.select %eq3A_695, %broadcast_in_dim3A_706, %broadcast_in_dim3A_707 : vector<16xi1>, vector<16xf32>
      %add3A_709 = arith.addf %scan3A_670, %select_n3A_708 : vector<16xf32>
      %eq3A_710 = arith.constant 1 : i32
      %eq3A_711 = vector.broadcast %eq3A_710 : i32 to vector<16xi32>
      %eq3A_712 = arith.cmpi eq, %get3A_688, %eq3A_711 : vector<16xi32>
      %jit3A_713 = arith.constant 0.000000e+00 : f32
      %broadcast_in_dim3A_714 = vector.broadcast %jit3A_713 : f32 to vector<16xf32>
      %select_n3A_715 = arith.select %eq3A_712, %get3A_690, %broadcast_in_dim3A_714 : vector<16xi1>, vector<16xf32>
      %add3A_716 = arith.addf %scan3A_639, %select_n3A_715 : vector<16xf32>
      %jit3A_717 = arith.constant 0.000000e+00 : f32
      %broadcast_in_dim3A_718 = vector.broadcast %jit3A_717 : f32 to vector<16xf32>
      %select_n3A_719 = arith.select %eq3A_712, %get3A_692, %broadcast_in_dim3A_718 : vector<16xi1>, vector<16xf32>
      %add3A_720 = arith.addf %scan3A_655, %select_n3A_719 : vector<16xf32>
      %jit3A_721 = arith.constant 1.000000e+00 : f32
      %jit3A_722 = arith.constant 0.000000e+00 : f32
      %broadcast_in_dim3A_723 = vector.broadcast %jit3A_721 : f32 to vector<16xf32>
      %broadcast_in_dim3A_724 = vector.broadcast %jit3A_722 : f32 to vector<16xf32>
      %select_n3A_725 = arith.select %eq3A_712, %broadcast_in_dim3A_723, %broadcast_in_dim3A_724 : vector<16xi1>, vector<16xf32>
      %add3A_726 = arith.addf %scan3A_671, %select_n3A_725 : vector<16xf32>
      %eq3A_727 = arith.constant 2 : i32
      %eq3A_728 = vector.broadcast %eq3A_727 : i32 to vector<16xi32>
      %eq3A_729 = arith.cmpi eq, %get3A_688, %eq3A_728 : vector<16xi32>
      %jit3A_730 = arith.constant 0.000000e+00 : f32
      %broadcast_in_dim3A_731 = vector.broadcast %jit3A_730 : f32 to vector<16xf32>
      %select_n3A_732 = arith.select %eq3A_729, %get3A_690, %broadcast_in_dim3A_731 : vector<16xi1>, vector<16xf32>
      %add3A_733 = arith.addf %scan3A_640, %select_n3A_732 : vector<16xf32>
      %jit3A_734 = arith.constant 0.000000e+00 : f32
      %broadcast_in_dim3A_735 = vector.broadcast %jit3A_734 : f32 to vector<16xf32>
      %select_n3A_736 = arith.select %eq3A_729, %get3A_692, %broadcast_in_dim3A_735 : vector<16xi1>, vector<16xf32>
      %add3A_737 = arith.addf %scan3A_656, %select_n3A_736 : vector<16xf32>
      %jit3A_738 = arith.constant 1.000000e+00 : f32
      %jit3A_739 = arith.constant 0.000000e+00 : f32
      %broadcast_in_dim3A_740 = vector.broadcast %jit3A_738 : f32 to vector<16xf32>
      %broadcast_in_dim3A_741 = vector.broadcast %jit3A_739 : f32 to vector<16xf32>
      %select_n3A_742 = arith.select %eq3A_729, %broadcast_in_dim3A_740, %broadcast_in_dim3A_741 : vector<16xi1>, vector<16xf32>
      %add3A_743 = arith.addf %scan3A_672, %select_n3A_742 : vector<16xf32>
      %eq3A_744 = arith.constant 3 : i32
      %eq3A_745 = vector.broadcast %eq3A_744 : i32 to vector<16xi32>
      %eq3A_746 = arith.cmpi eq, %get3A_688, %eq3A_745 : vector<16xi32>
      %jit3A_747 = arith.constant 0.000000e+00 : f32
      %broadcast_in_dim3A_748 = vector.broadcast %jit3A_747 : f32 to vector<16xf32>
      %select_n3A_749 = arith.select %eq3A_746, %get3A_690, %broadcast_in_dim3A_748 : vector<16xi1>, vector<16xf32>
      %add3A_750 = arith.addf %scan3A_641, %select_n3A_749 : vector<16xf32>
      %jit3A_751 = arith.constant 0.000000e+00 : f32
      %broadcast_in_dim3A_752 = vector.broadcast %jit3A_751 : f32 to vector<16xf32>
      %select_n3A_753 = arith.select %eq3A_746, %get3A_692, %broadcast_in_dim3A_752 : vector<16xi1>, vector<16xf32>
      %add3A_754 = arith.addf %scan3A_657, %select_n3A_753 : vector<16xf32>
      %jit3A_755 = arith.constant 1.000000e+00 : f32
      %jit3A_756 = arith.constant 0.000000e+00 : f32
      %broadcast_in_dim3A_757 = vector.broadcast %jit3A_755 : f32 to vector<16xf32>
      %broadcast_in_dim3A_758 = vector.broadcast %jit3A_756 : f32 to vector<16xf32>
      %select_n3A_759 = arith.select %eq3A_746, %broadcast_in_dim3A_757, %broadcast_in_dim3A_758 : vector<16xi1>, vector<16xf32>
      %add3A_760 = arith.addf %scan3A_673, %select_n3A_759 : vector<16xf32>
      %eq3A_761 = arith.constant 4 : i32
      %eq3A_762 = vector.broadcast %eq3A_761 : i32 to vector<16xi32>
      %eq3A_763 = arith.cmpi eq, %get3A_688, %eq3A_762 : vector<16xi32>
      %jit3A_764 = arith.constant 0.000000e+00 : f32
      %broadcast_in_dim3A_765 = vector.broadcast %jit3A_764 : f32 to vector<16xf32>
      %select_n3A_766 = arith.select %eq3A_763, %get3A_690, %broadcast_in_dim3A_765 : vector<16xi1>, vector<16xf32>
      %add3A_767 = arith.addf %scan3A_642, %select_n3A_766 : vector<16xf32>
      %jit3A_768 = arith.constant 0.000000e+00 : f32
      %broadcast_in_dim3A_769 = vector.broadcast %jit3A_768 : f32 to vector<16xf32>
      %select_n3A_770 = arith.select %eq3A_763, %get3A_692, %broadcast_in_dim3A_769 : vector<16xi1>, vector<16xf32>
      %add3A_771 = arith.addf %scan3A_658, %select_n3A_770 : vector<16xf32>
      %jit3A_772 = arith.constant 1.000000e+00 : f32
      %jit3A_773 = arith.constant 0.000000e+00 : f32
      %broadcast_in_dim3A_774 = vector.broadcast %jit3A_772 : f32 to vector<16xf32>
      %broadcast_in_dim3A_775 = vector.broadcast %jit3A_773 : f32 to vector<16xf32>
      %select_n3A_776 = arith.select %eq3A_763, %broadcast_in_dim3A_774, %broadcast_in_dim3A_775 : vector<16xi1>, vector<16xf32>
      %add3A_777 = arith.addf %scan3A_674, %select_n3A_776 : vector<16xf32>
      %eq3A_778 = arith.constant 5 : i32
      %eq3A_779 = vector.broadcast %eq3A_778 : i32 to vector<16xi32>
      %eq3A_780 = arith.cmpi eq, %get3A_688, %eq3A_779 : vector<16xi32>
      %jit3A_781 = arith.constant 0.000000e+00 : f32
      %broadcast_in_dim3A_782 = vector.broadcast %jit3A_781 : f32 to vector<16xf32>
      %select_n3A_783 = arith.select %eq3A_780, %get3A_690, %broadcast_in_dim3A_782 : vector<16xi1>, vector<16xf32>
      %add3A_784 = arith.addf %scan3A_643, %select_n3A_783 : vector<16xf32>
      %jit3A_785 = arith.constant 0.000000e+00 : f32
      %broadcast_in_dim3A_786 = vector.broadcast %jit3A_785 : f32 to vector<16xf32>
      %select_n3A_787 = arith.select %eq3A_780, %get3A_692, %broadcast_in_dim3A_786 : vector<16xi1>, vector<16xf32>
      %add3A_788 = arith.addf %scan3A_659, %select_n3A_787 : vector<16xf32>
      %jit3A_789 = arith.constant 1.000000e+00 : f32
      %jit3A_790 = arith.constant 0.000000e+00 : f32
      %broadcast_in_dim3A_791 = vector.broadcast %jit3A_789 : f32 to vector<16xf32>
      %broadcast_in_dim3A_792 = vector.broadcast %jit3A_790 : f32 to vector<16xf32>
      %select_n3A_793 = arith.select %eq3A_780, %broadcast_in_dim3A_791, %broadcast_in_dim3A_792 : vector<16xi1>, vector<16xf32>
      %add3A_794 = arith.addf %scan3A_675, %select_n3A_793 : vector<16xf32>
      %eq3A_795 = arith.constant 6 : i32
      %eq3A_796 = vector.broadcast %eq3A_795 : i32 to vector<16xi32>
      %eq3A_797 = arith.cmpi eq, %get3A_688, %eq3A_796 : vector<16xi32>
      %jit3A_798 = arith.constant 0.000000e+00 : f32
      %broadcast_in_dim3A_799 = vector.broadcast %jit3A_798 : f32 to vector<16xf32>
      %select_n3A_800 = arith.select %eq3A_797, %get3A_690, %broadcast_in_dim3A_799 : vector<16xi1>, vector<16xf32>
      %add3A_801 = arith.addf %scan3A_644, %select_n3A_800 : vector<16xf32>
      %jit3A_802 = arith.constant 0.000000e+00 : f32
      %broadcast_in_dim3A_803 = vector.broadcast %jit3A_802 : f32 to vector<16xf32>
      %select_n3A_804 = arith.select %eq3A_797, %get3A_692, %broadcast_in_dim3A_803 : vector<16xi1>, vector<16xf32>
      %add3A_805 = arith.addf %scan3A_660, %select_n3A_804 : vector<16xf32>
      %jit3A_806 = arith.constant 1.000000e+00 : f32
      %jit3A_807 = arith.constant 0.000000e+00 : f32
      %broadcast_in_dim3A_808 = vector.broadcast %jit3A_806 : f32 to vector<16xf32>
      %broadcast_in_dim3A_809 = vector.broadcast %jit3A_807 : f32 to vector<16xf32>
      %select_n3A_810 = arith.select %eq3A_797, %broadcast_in_dim3A_808, %broadcast_in_dim3A_809 : vector<16xi1>, vector<16xf32>
      %add3A_811 = arith.addf %scan3A_676, %select_n3A_810 : vector<16xf32>
      %eq3A_812 = arith.constant 7 : i32
      %eq3A_813 = vector.broadcast %eq3A_812 : i32 to vector<16xi32>
      %eq3A_814 = arith.cmpi eq, %get3A_688, %eq3A_813 : vector<16xi32>
      %jit3A_815 = arith.constant 0.000000e+00 : f32
      %broadcast_in_dim3A_816 = vector.broadcast %jit3A_815 : f32 to vector<16xf32>
      %select_n3A_817 = arith.select %eq3A_814, %get3A_690, %broadcast_in_dim3A_816 : vector<16xi1>, vector<16xf32>
      %add3A_818 = arith.addf %scan3A_645, %select_n3A_817 : vector<16xf32>
      %jit3A_819 = arith.constant 0.000000e+00 : f32
      %broadcast_in_dim3A_820 = vector.broadcast %jit3A_819 : f32 to vector<16xf32>
      %select_n3A_821 = arith.select %eq3A_814, %get3A_692, %broadcast_in_dim3A_820 : vector<16xi1>, vector<16xf32>
      %add3A_822 = arith.addf %scan3A_661, %select_n3A_821 : vector<16xf32>
      %jit3A_823 = arith.constant 1.000000e+00 : f32
      %jit3A_824 = arith.constant 0.000000e+00 : f32
      %broadcast_in_dim3A_825 = vector.broadcast %jit3A_823 : f32 to vector<16xf32>
      %broadcast_in_dim3A_826 = vector.broadcast %jit3A_824 : f32 to vector<16xf32>
      %select_n3A_827 = arith.select %eq3A_814, %broadcast_in_dim3A_825, %broadcast_in_dim3A_826 : vector<16xi1>, vector<16xf32>
      %add3A_828 = arith.addf %scan3A_677, %select_n3A_827 : vector<16xf32>
      %eq3A_829 = arith.constant 8 : i32
      %eq3A_830 = vector.broadcast %eq3A_829 : i32 to vector<16xi32>
      %eq3A_831 = arith.cmpi eq, %get3A_688, %eq3A_830 : vector<16xi32>
      %jit3A_832 = arith.constant 0.000000e+00 : f32
      %broadcast_in_dim3A_833 = vector.broadcast %jit3A_832 : f32 to vector<16xf32>
      %select_n3A_834 = arith.select %eq3A_831, %get3A_690, %broadcast_in_dim3A_833 : vector<16xi1>, vector<16xf32>
      %add3A_835 = arith.addf %scan3A_646, %select_n3A_834 : vector<16xf32>
      %jit3A_836 = arith.constant 0.000000e+00 : f32
      %broadcast_in_dim3A_837 = vector.broadcast %jit3A_836 : f32 to vector<16xf32>
      %select_n3A_838 = arith.select %eq3A_831, %get3A_692, %broadcast_in_dim3A_837 : vector<16xi1>, vector<16xf32>
      %add3A_839 = arith.addf %scan3A_662, %select_n3A_838 : vector<16xf32>
      %jit3A_840 = arith.constant 1.000000e+00 : f32
      %jit3A_841 = arith.constant 0.000000e+00 : f32
      %broadcast_in_dim3A_842 = vector.broadcast %jit3A_840 : f32 to vector<16xf32>
      %broadcast_in_dim3A_843 = vector.broadcast %jit3A_841 : f32 to vector<16xf32>
      %select_n3A_844 = arith.select %eq3A_831, %broadcast_in_dim3A_842, %broadcast_in_dim3A_843 : vector<16xi1>, vector<16xf32>
      %add3A_845 = arith.addf %scan3A_678, %select_n3A_844 : vector<16xf32>
      %eq3A_846 = arith.constant 9 : i32
      %eq3A_847 = vector.broadcast %eq3A_846 : i32 to vector<16xi32>
      %eq3A_848 = arith.cmpi eq, %get3A_688, %eq3A_847 : vector<16xi32>
      %jit3A_849 = arith.constant 0.000000e+00 : f32
      %broadcast_in_dim3A_850 = vector.broadcast %jit3A_849 : f32 to vector<16xf32>
      %select_n3A_851 = arith.select %eq3A_848, %get3A_690, %broadcast_in_dim3A_850 : vector<16xi1>, vector<16xf32>
      %add3A_852 = arith.addf %scan3A_647, %select_n3A_851 : vector<16xf32>
      %jit3A_853 = arith.constant 0.000000e+00 : f32
      %broadcast_in_dim3A_854 = vector.broadcast %jit3A_853 : f32 to vector<16xf32>
      %select_n3A_855 = arith.select %eq3A_848, %get3A_692, %broadcast_in_dim3A_854 : vector<16xi1>, vector<16xf32>
      %add3A_856 = arith.addf %scan3A_663, %select_n3A_855 : vector<16xf32>
      %jit3A_857 = arith.constant 1.000000e+00 : f32
      %jit3A_858 = arith.constant 0.000000e+00 : f32
      %broadcast_in_dim3A_859 = vector.broadcast %jit3A_857 : f32 to vector<16xf32>
      %broadcast_in_dim3A_860 = vector.broadcast %jit3A_858 : f32 to vector<16xf32>
      %select_n3A_861 = arith.select %eq3A_848, %broadcast_in_dim3A_859, %broadcast_in_dim3A_860 : vector<16xi1>, vector<16xf32>
      %add3A_862 = arith.addf %scan3A_679, %select_n3A_861 : vector<16xf32>
      %eq3A_863 = arith.constant 10 : i32
      %eq3A_864 = vector.broadcast %eq3A_863 : i32 to vector<16xi32>
      %eq3A_865 = arith.cmpi eq, %get3A_688, %eq3A_864 : vector<16xi32>
      %jit3A_866 = arith.constant 0.000000e+00 : f32
      %broadcast_in_dim3A_867 = vector.broadcast %jit3A_866 : f32 to vector<16xf32>
      %select_n3A_868 = arith.select %eq3A_865, %get3A_690, %broadcast_in_dim3A_867 : vector<16xi1>, vector<16xf32>
      %add3A_869 = arith.addf %scan3A_648, %select_n3A_868 : vector<16xf32>
      %jit3A_870 = arith.constant 0.000000e+00 : f32
      %broadcast_in_dim3A_871 = vector.broadcast %jit3A_870 : f32 to vector<16xf32>
      %select_n3A_872 = arith.select %eq3A_865, %get3A_692, %broadcast_in_dim3A_871 : vector<16xi1>, vector<16xf32>
      %add3A_873 = arith.addf %scan3A_664, %select_n3A_872 : vector<16xf32>
      %jit3A_874 = arith.constant 1.000000e+00 : f32
      %jit3A_875 = arith.constant 0.000000e+00 : f32
      %broadcast_in_dim3A_876 = vector.broadcast %jit3A_874 : f32 to vector<16xf32>
      %broadcast_in_dim3A_877 = vector.broadcast %jit3A_875 : f32 to vector<16xf32>
      %select_n3A_878 = arith.select %eq3A_865, %broadcast_in_dim3A_876, %broadcast_in_dim3A_877 : vector<16xi1>, vector<16xf32>
      %add3A_879 = arith.addf %scan3A_680, %select_n3A_878 : vector<16xf32>
      %eq3A_880 = arith.constant 11 : i32
      %eq3A_881 = vector.broadcast %eq3A_880 : i32 to vector<16xi32>
      %eq3A_882 = arith.cmpi eq, %get3A_688, %eq3A_881 : vector<16xi32>
      %jit3A_883 = arith.constant 0.000000e+00 : f32
      %broadcast_in_dim3A_884 = vector.broadcast %jit3A_883 : f32 to vector<16xf32>
      %select_n3A_885 = arith.select %eq3A_882, %get3A_690, %broadcast_in_dim3A_884 : vector<16xi1>, vector<16xf32>
      %add3A_886 = arith.addf %scan3A_649, %select_n3A_885 : vector<16xf32>
      %jit3A_887 = arith.constant 0.000000e+00 : f32
      %broadcast_in_dim3A_888 = vector.broadcast %jit3A_887 : f32 to vector<16xf32>
      %select_n3A_889 = arith.select %eq3A_882, %get3A_692, %broadcast_in_dim3A_888 : vector<16xi1>, vector<16xf32>
      %add3A_890 = arith.addf %scan3A_665, %select_n3A_889 : vector<16xf32>
      %jit3A_891 = arith.constant 1.000000e+00 : f32
      %jit3A_892 = arith.constant 0.000000e+00 : f32
      %broadcast_in_dim3A_893 = vector.broadcast %jit3A_891 : f32 to vector<16xf32>
      %broadcast_in_dim3A_894 = vector.broadcast %jit3A_892 : f32 to vector<16xf32>
      %select_n3A_895 = arith.select %eq3A_882, %broadcast_in_dim3A_893, %broadcast_in_dim3A_894 : vector<16xi1>, vector<16xf32>
      %add3A_896 = arith.addf %scan3A_681, %select_n3A_895 : vector<16xf32>
      %eq3A_897 = arith.constant 12 : i32
      %eq3A_898 = vector.broadcast %eq3A_897 : i32 to vector<16xi32>
      %eq3A_899 = arith.cmpi eq, %get3A_688, %eq3A_898 : vector<16xi32>
      %jit3A_900 = arith.constant 0.000000e+00 : f32
      %broadcast_in_dim3A_901 = vector.broadcast %jit3A_900 : f32 to vector<16xf32>
      %select_n3A_902 = arith.select %eq3A_899, %get3A_690, %broadcast_in_dim3A_901 : vector<16xi1>, vector<16xf32>
      %add3A_903 = arith.addf %scan3A_650, %select_n3A_902 : vector<16xf32>
      %jit3A_904 = arith.constant 0.000000e+00 : f32
      %broadcast_in_dim3A_905 = vector.broadcast %jit3A_904 : f32 to vector<16xf32>
      %select_n3A_906 = arith.select %eq3A_899, %get3A_692, %broadcast_in_dim3A_905 : vector<16xi1>, vector<16xf32>
      %add3A_907 = arith.addf %scan3A_666, %select_n3A_906 : vector<16xf32>
      %jit3A_908 = arith.constant 1.000000e+00 : f32
      %jit3A_909 = arith.constant 0.000000e+00 : f32
      %broadcast_in_dim3A_910 = vector.broadcast %jit3A_908 : f32 to vector<16xf32>
      %broadcast_in_dim3A_911 = vector.broadcast %jit3A_909 : f32 to vector<16xf32>
      %select_n3A_912 = arith.select %eq3A_899, %broadcast_in_dim3A_910, %broadcast_in_dim3A_911 : vector<16xi1>, vector<16xf32>
      %add3A_913 = arith.addf %scan3A_682, %select_n3A_912 : vector<16xf32>
      %eq3A_914 = arith.constant 13 : i32
      %eq3A_915 = vector.broadcast %eq3A_914 : i32 to vector<16xi32>
      %eq3A_916 = arith.cmpi eq, %get3A_688, %eq3A_915 : vector<16xi32>
      %jit3A_917 = arith.constant 0.000000e+00 : f32
      %broadcast_in_dim3A_918 = vector.broadcast %jit3A_917 : f32 to vector<16xf32>
      %select_n3A_919 = arith.select %eq3A_916, %get3A_690, %broadcast_in_dim3A_918 : vector<16xi1>, vector<16xf32>
      %add3A_920 = arith.addf %scan3A_651, %select_n3A_919 : vector<16xf32>
      %jit3A_921 = arith.constant 0.000000e+00 : f32
      %broadcast_in_dim3A_922 = vector.broadcast %jit3A_921 : f32 to vector<16xf32>
      %select_n3A_923 = arith.select %eq3A_916, %get3A_692, %broadcast_in_dim3A_922 : vector<16xi1>, vector<16xf32>
      %add3A_924 = arith.addf %scan3A_667, %select_n3A_923 : vector<16xf32>
      %jit3A_925 = arith.constant 1.000000e+00 : f32
      %jit3A_926 = arith.constant 0.000000e+00 : f32
      %broadcast_in_dim3A_927 = vector.broadcast %jit3A_925 : f32 to vector<16xf32>
      %broadcast_in_dim3A_928 = vector.broadcast %jit3A_926 : f32 to vector<16xf32>
      %select_n3A_929 = arith.select %eq3A_916, %broadcast_in_dim3A_927, %broadcast_in_dim3A_928 : vector<16xi1>, vector<16xf32>
      %add3A_930 = arith.addf %scan3A_683, %select_n3A_929 : vector<16xf32>
      %eq3A_931 = arith.constant 14 : i32
      %eq3A_932 = vector.broadcast %eq3A_931 : i32 to vector<16xi32>
      %eq3A_933 = arith.cmpi eq, %get3A_688, %eq3A_932 : vector<16xi32>
      %jit3A_934 = arith.constant 0.000000e+00 : f32
      %broadcast_in_dim3A_935 = vector.broadcast %jit3A_934 : f32 to vector<16xf32>
      %select_n3A_936 = arith.select %eq3A_933, %get3A_690, %broadcast_in_dim3A_935 : vector<16xi1>, vector<16xf32>
      %add3A_937 = arith.addf %scan3A_652, %select_n3A_936 : vector<16xf32>
      %jit3A_938 = arith.constant 0.000000e+00 : f32
      %broadcast_in_dim3A_939 = vector.broadcast %jit3A_938 : f32 to vector<16xf32>
      %select_n3A_940 = arith.select %eq3A_933, %get3A_692, %broadcast_in_dim3A_939 : vector<16xi1>, vector<16xf32>
      %add3A_941 = arith.addf %scan3A_668, %select_n3A_940 : vector<16xf32>
      %jit3A_942 = arith.constant 1.000000e+00 : f32
      %jit3A_943 = arith.constant 0.000000e+00 : f32
      %broadcast_in_dim3A_944 = vector.broadcast %jit3A_942 : f32 to vector<16xf32>
      %broadcast_in_dim3A_945 = vector.broadcast %jit3A_943 : f32 to vector<16xf32>
      %select_n3A_946 = arith.select %eq3A_933, %broadcast_in_dim3A_944, %broadcast_in_dim3A_945 : vector<16xi1>, vector<16xf32>
      %add3A_947 = arith.addf %scan3A_684, %select_n3A_946 : vector<16xf32>
      %eq3A_948 = arith.constant 15 : i32
      %eq3A_949 = vector.broadcast %eq3A_948 : i32 to vector<16xi32>
      %eq3A_950 = arith.cmpi eq, %get3A_688, %eq3A_949 : vector<16xi32>
      %jit3A_951 = arith.constant 0.000000e+00 : f32
      %broadcast_in_dim3A_952 = vector.broadcast %jit3A_951 : f32 to vector<16xf32>
      %select_n3A_953 = arith.select %eq3A_950, %get3A_690, %broadcast_in_dim3A_952 : vector<16xi1>, vector<16xf32>
      %add3A_954 = arith.addf %scan3A_653, %select_n3A_953 : vector<16xf32>
      %jit3A_955 = arith.constant 0.000000e+00 : f32
      %broadcast_in_dim3A_956 = vector.broadcast %jit3A_955 : f32 to vector<16xf32>
      %select_n3A_957 = arith.select %eq3A_950, %get3A_692, %broadcast_in_dim3A_956 : vector<16xi1>, vector<16xf32>
      %add3A_958 = arith.addf %scan3A_669, %select_n3A_957 : vector<16xf32>
      %jit3A_959 = arith.constant 1.000000e+00 : f32
      %jit3A_960 = arith.constant 0.000000e+00 : f32
      %broadcast_in_dim3A_961 = vector.broadcast %jit3A_959 : f32 to vector<16xf32>
      %broadcast_in_dim3A_962 = vector.broadcast %jit3A_960 : f32 to vector<16xf32>
      %select_n3A_963 = arith.select %eq3A_950, %broadcast_in_dim3A_961, %broadcast_in_dim3A_962 : vector<16xi1>, vector<16xf32>
      %add3A_964 = arith.addf %scan3A_685, %select_n3A_963 : vector<16xf32>
      scf.yield %add3A_699, %add3A_716, %add3A_733, %add3A_750, %add3A_767, %add3A_784, %add3A_801, %add3A_818, %add3A_835, %add3A_852, %add3A_869, %add3A_886, %add3A_903, %add3A_920, %add3A_937, %add3A_954, %add3A_703, %add3A_720, %add3A_737, %add3A_754, %add3A_771, %add3A_788, %add3A_805, %add3A_822, %add3A_839, %add3A_856, %add3A_873, %add3A_890, %add3A_907, %add3A_924, %add3A_941, %add3A_958, %add3A_709, %add3A_726, %add3A_743, %add3A_760, %add3A_777, %add3A_794, %add3A_811, %add3A_828, %add3A_845, %add3A_862, %add3A_879, %add3A_896, %add3A_913, %add3A_930, %add3A_947, %add3A_964 : vector<16xf32>, vector<16xf32>, vector<16xf32>, vector<16xf32>, vector<16xf32>, vector<16xf32>, vector<16xf32>, vector<16xf32>, vector<16xf32>, vector<16xf32>, vector<16xf32>, vector<16xf32>, vector<16xf32>, vector<16xf32>, vector<16xf32>, vector<16xf32>, vector<16xf32>, vector<16xf32>, vector<16xf32>, vector<16xf32>, vector<16xf32>, vector<16xf32>, vector<16xf32>, vector<16xf32>, vector<16xf32>, vector<16xf32>, vector<16xf32>, vector<16xf32>, vector<16xf32>, vector<16xf32>, vector<16xf32>, vector<16xf32>, vector<16xf32>, vector<16xf32>, vector<16xf32>, vector<16xf32>, vector<16xf32>, vector<16xf32>, vector<16xf32>, vector<16xf32>, vector<16xf32>, vector<16xf32>, vector<16xf32>, vector<16xf32>, vector<16xf32>, vector<16xf32>, vector<16xf32>, vector<16xf32>
    }
    %scan3A_51 = arith.constant 64 : i32
    %eq3A_52 = arith.constant 0 : i32
    %eq3A_53 = vector.broadcast %eq3A_52 : i32 to vector<16xi32>
    %eq3A_54 = arith.cmpi eq, %iota3A, %eq3A_53 : vector<16xi32>
    %reduce_sum3A = arith.constant true
    %reduce_sum3A_55 = vector.broadcast %reduce_sum3A : i1 to vector<16xi1>
    %reduce_sum3A_56 = tpu.scan <sum>, %scan3A_50#0 masked %reduce_sum3A_55 : vector<16xf32>, vector<16xi1> -> vector<16xf32>
    %reduce_sum3A_57 = vector.extract %reduce_sum3A_56[15] : f32 from vector<16xf32>
    %jit3A_58 = arith.constant 0.000000e+00 : f32
    %broadcast_in_dim3A_59 = vector.broadcast %reduce_sum3A_57 : f32 to vector<16xf32>
    %broadcast_in_dim3A_60 = vector.broadcast %jit3A_58 : f32 to vector<16xf32>
    %select_n3A_61 = arith.select %eq3A_54, %broadcast_in_dim3A_59, %broadcast_in_dim3A_60 : vector<16xi1>, vector<16xf32>
    %add3A_62 = arith.addf %broadcast_in_dim3A_46, %select_n3A_61 : vector<16xf32>
    %eq3A_63 = arith.constant 1 : i32
    %eq3A_64 = vector.broadcast %eq3A_63 : i32 to vector<16xi32>
    %eq3A_65 = arith.cmpi eq, %iota3A, %eq3A_64 : vector<16xi32>
    %reduce_sum3A_66 = arith.constant true
    %reduce_sum3A_67 = vector.broadcast %reduce_sum3A_66 : i1 to vector<16xi1>
    %reduce_sum3A_68 = tpu.scan <sum>, %scan3A_50#1 masked %reduce_sum3A_67 : vector<16xf32>, vector<16xi1> -> vector<16xf32>
    %reduce_sum3A_69 = vector.extract %reduce_sum3A_68[15] : f32 from vector<16xf32>
    %jit3A_70 = arith.constant 0.000000e+00 : f32
    %broadcast_in_dim3A_71 = vector.broadcast %reduce_sum3A_69 : f32 to vector<16xf32>
    %broadcast_in_dim3A_72 = vector.broadcast %jit3A_70 : f32 to vector<16xf32>
    %select_n3A_73 = arith.select %eq3A_65, %broadcast_in_dim3A_71, %broadcast_in_dim3A_72 : vector<16xi1>, vector<16xf32>
    %add3A_74 = arith.addf %add3A_62, %select_n3A_73 : vector<16xf32>
    %eq3A_75 = arith.constant 2 : i32
    %eq3A_76 = vector.broadcast %eq3A_75 : i32 to vector<16xi32>
    %eq3A_77 = arith.cmpi eq, %iota3A, %eq3A_76 : vector<16xi32>
    %reduce_sum3A_78 = arith.constant true
    %reduce_sum3A_79 = vector.broadcast %reduce_sum3A_78 : i1 to vector<16xi1>
    %reduce_sum3A_80 = tpu.scan <sum>, %scan3A_50#2 masked %reduce_sum3A_79 : vector<16xf32>, vector<16xi1> -> vector<16xf32>
    %reduce_sum3A_81 = vector.extract %reduce_sum3A_80[15] : f32 from vector<16xf32>
    %jit3A_82 = arith.constant 0.000000e+00 : f32
    %broadcast_in_dim3A_83 = vector.broadcast %reduce_sum3A_81 : f32 to vector<16xf32>
    %broadcast_in_dim3A_84 = vector.broadcast %jit3A_82 : f32 to vector<16xf32>
    %select_n3A_85 = arith.select %eq3A_77, %broadcast_in_dim3A_83, %broadcast_in_dim3A_84 : vector<16xi1>, vector<16xf32>
    %add3A_86 = arith.addf %add3A_74, %select_n3A_85 : vector<16xf32>
    %eq3A_87 = arith.constant 3 : i32
    %eq3A_88 = vector.broadcast %eq3A_87 : i32 to vector<16xi32>
    %eq3A_89 = arith.cmpi eq, %iota3A, %eq3A_88 : vector<16xi32>
    %reduce_sum3A_90 = arith.constant true
    %reduce_sum3A_91 = vector.broadcast %reduce_sum3A_90 : i1 to vector<16xi1>
    %reduce_sum3A_92 = tpu.scan <sum>, %scan3A_50#3 masked %reduce_sum3A_91 : vector<16xf32>, vector<16xi1> -> vector<16xf32>
    %reduce_sum3A_93 = vector.extract %reduce_sum3A_92[15] : f32 from vector<16xf32>
    %jit3A_94 = arith.constant 0.000000e+00 : f32
    %broadcast_in_dim3A_95 = vector.broadcast %reduce_sum3A_93 : f32 to vector<16xf32>
    %broadcast_in_dim3A_96 = vector.broadcast %jit3A_94 : f32 to vector<16xf32>
    %select_n3A_97 = arith.select %eq3A_89, %broadcast_in_dim3A_95, %broadcast_in_dim3A_96 : vector<16xi1>, vector<16xf32>
    %add3A_98 = arith.addf %add3A_86, %select_n3A_97 : vector<16xf32>
    %eq3A_99 = arith.constant 4 : i32
    %eq3A_100 = vector.broadcast %eq3A_99 : i32 to vector<16xi32>
    %eq3A_101 = arith.cmpi eq, %iota3A, %eq3A_100 : vector<16xi32>
    %reduce_sum3A_102 = arith.constant true
    %reduce_sum3A_103 = vector.broadcast %reduce_sum3A_102 : i1 to vector<16xi1>
    %reduce_sum3A_104 = tpu.scan <sum>, %scan3A_50#4 masked %reduce_sum3A_103 : vector<16xf32>, vector<16xi1> -> vector<16xf32>
    %reduce_sum3A_105 = vector.extract %reduce_sum3A_104[15] : f32 from vector<16xf32>
    %jit3A_106 = arith.constant 0.000000e+00 : f32
    %broadcast_in_dim3A_107 = vector.broadcast %reduce_sum3A_105 : f32 to vector<16xf32>
    %broadcast_in_dim3A_108 = vector.broadcast %jit3A_106 : f32 to vector<16xf32>
    %select_n3A_109 = arith.select %eq3A_101, %broadcast_in_dim3A_107, %broadcast_in_dim3A_108 : vector<16xi1>, vector<16xf32>
    %add3A_110 = arith.addf %add3A_98, %select_n3A_109 : vector<16xf32>
    %eq3A_111 = arith.constant 5 : i32
    %eq3A_112 = vector.broadcast %eq3A_111 : i32 to vector<16xi32>
    %eq3A_113 = arith.cmpi eq, %iota3A, %eq3A_112 : vector<16xi32>
    %reduce_sum3A_114 = arith.constant true
    %reduce_sum3A_115 = vector.broadcast %reduce_sum3A_114 : i1 to vector<16xi1>
    %reduce_sum3A_116 = tpu.scan <sum>, %scan3A_50#5 masked %reduce_sum3A_115 : vector<16xf32>, vector<16xi1> -> vector<16xf32>
    %reduce_sum3A_117 = vector.extract %reduce_sum3A_116[15] : f32 from vector<16xf32>
    %jit3A_118 = arith.constant 0.000000e+00 : f32
    %broadcast_in_dim3A_119 = vector.broadcast %reduce_sum3A_117 : f32 to vector<16xf32>
    %broadcast_in_dim3A_120 = vector.broadcast %jit3A_118 : f32 to vector<16xf32>
    %select_n3A_121 = arith.select %eq3A_113, %broadcast_in_dim3A_119, %broadcast_in_dim3A_120 : vector<16xi1>, vector<16xf32>
    %add3A_122 = arith.addf %add3A_110, %select_n3A_121 : vector<16xf32>
    %eq3A_123 = arith.constant 6 : i32
    %eq3A_124 = vector.broadcast %eq3A_123 : i32 to vector<16xi32>
    %eq3A_125 = arith.cmpi eq, %iota3A, %eq3A_124 : vector<16xi32>
    %reduce_sum3A_126 = arith.constant true
    %reduce_sum3A_127 = vector.broadcast %reduce_sum3A_126 : i1 to vector<16xi1>
    %reduce_sum3A_128 = tpu.scan <sum>, %scan3A_50#6 masked %reduce_sum3A_127 : vector<16xf32>, vector<16xi1> -> vector<16xf32>
    %reduce_sum3A_129 = vector.extract %reduce_sum3A_128[15] : f32 from vector<16xf32>
    %jit3A_130 = arith.constant 0.000000e+00 : f32
    %broadcast_in_dim3A_131 = vector.broadcast %reduce_sum3A_129 : f32 to vector<16xf32>
    %broadcast_in_dim3A_132 = vector.broadcast %jit3A_130 : f32 to vector<16xf32>
    %select_n3A_133 = arith.select %eq3A_125, %broadcast_in_dim3A_131, %broadcast_in_dim3A_132 : vector<16xi1>, vector<16xf32>
    %add3A_134 = arith.addf %add3A_122, %select_n3A_133 : vector<16xf32>
    %eq3A_135 = arith.constant 7 : i32
    %eq3A_136 = vector.broadcast %eq3A_135 : i32 to vector<16xi32>
    %eq3A_137 = arith.cmpi eq, %iota3A, %eq3A_136 : vector<16xi32>
    %reduce_sum3A_138 = arith.constant true
    %reduce_sum3A_139 = vector.broadcast %reduce_sum3A_138 : i1 to vector<16xi1>
    %reduce_sum3A_140 = tpu.scan <sum>, %scan3A_50#7 masked %reduce_sum3A_139 : vector<16xf32>, vector<16xi1> -> vector<16xf32>
    %reduce_sum3A_141 = vector.extract %reduce_sum3A_140[15] : f32 from vector<16xf32>
    %jit3A_142 = arith.constant 0.000000e+00 : f32
    %broadcast_in_dim3A_143 = vector.broadcast %reduce_sum3A_141 : f32 to vector<16xf32>
    %broadcast_in_dim3A_144 = vector.broadcast %jit3A_142 : f32 to vector<16xf32>
    %select_n3A_145 = arith.select %eq3A_137, %broadcast_in_dim3A_143, %broadcast_in_dim3A_144 : vector<16xi1>, vector<16xf32>
    %add3A_146 = arith.addf %add3A_134, %select_n3A_145 : vector<16xf32>
    %eq3A_147 = arith.constant 8 : i32
    %eq3A_148 = vector.broadcast %eq3A_147 : i32 to vector<16xi32>
    %eq3A_149 = arith.cmpi eq, %iota3A, %eq3A_148 : vector<16xi32>
    %reduce_sum3A_150 = arith.constant true
    %reduce_sum3A_151 = vector.broadcast %reduce_sum3A_150 : i1 to vector<16xi1>
    %reduce_sum3A_152 = tpu.scan <sum>, %scan3A_50#8 masked %reduce_sum3A_151 : vector<16xf32>, vector<16xi1> -> vector<16xf32>
    %reduce_sum3A_153 = vector.extract %reduce_sum3A_152[15] : f32 from vector<16xf32>
    %jit3A_154 = arith.constant 0.000000e+00 : f32
    %broadcast_in_dim3A_155 = vector.broadcast %reduce_sum3A_153 : f32 to vector<16xf32>
    %broadcast_in_dim3A_156 = vector.broadcast %jit3A_154 : f32 to vector<16xf32>
    %select_n3A_157 = arith.select %eq3A_149, %broadcast_in_dim3A_155, %broadcast_in_dim3A_156 : vector<16xi1>, vector<16xf32>
    %add3A_158 = arith.addf %add3A_146, %select_n3A_157 : vector<16xf32>
    %eq3A_159 = arith.constant 9 : i32
    %eq3A_160 = vector.broadcast %eq3A_159 : i32 to vector<16xi32>
    %eq3A_161 = arith.cmpi eq, %iota3A, %eq3A_160 : vector<16xi32>
    %reduce_sum3A_162 = arith.constant true
    %reduce_sum3A_163 = vector.broadcast %reduce_sum3A_162 : i1 to vector<16xi1>
    %reduce_sum3A_164 = tpu.scan <sum>, %scan3A_50#9 masked %reduce_sum3A_163 : vector<16xf32>, vector<16xi1> -> vector<16xf32>
    %reduce_sum3A_165 = vector.extract %reduce_sum3A_164[15] : f32 from vector<16xf32>
    %jit3A_166 = arith.constant 0.000000e+00 : f32
    %broadcast_in_dim3A_167 = vector.broadcast %reduce_sum3A_165 : f32 to vector<16xf32>
    %broadcast_in_dim3A_168 = vector.broadcast %jit3A_166 : f32 to vector<16xf32>
    %select_n3A_169 = arith.select %eq3A_161, %broadcast_in_dim3A_167, %broadcast_in_dim3A_168 : vector<16xi1>, vector<16xf32>
    %add3A_170 = arith.addf %add3A_158, %select_n3A_169 : vector<16xf32>
    %eq3A_171 = arith.constant 10 : i32
    %eq3A_172 = vector.broadcast %eq3A_171 : i32 to vector<16xi32>
    %eq3A_173 = arith.cmpi eq, %iota3A, %eq3A_172 : vector<16xi32>
    %reduce_sum3A_174 = arith.constant true
    %reduce_sum3A_175 = vector.broadcast %reduce_sum3A_174 : i1 to vector<16xi1>
    %reduce_sum3A_176 = tpu.scan <sum>, %scan3A_50#10 masked %reduce_sum3A_175 : vector<16xf32>, vector<16xi1> -> vector<16xf32>
    %reduce_sum3A_177 = vector.extract %reduce_sum3A_176[15] : f32 from vector<16xf32>
    %jit3A_178 = arith.constant 0.000000e+00 : f32
    %broadcast_in_dim3A_179 = vector.broadcast %reduce_sum3A_177 : f32 to vector<16xf32>
    %broadcast_in_dim3A_180 = vector.broadcast %jit3A_178 : f32 to vector<16xf32>
    %select_n3A_181 = arith.select %eq3A_173, %broadcast_in_dim3A_179, %broadcast_in_dim3A_180 : vector<16xi1>, vector<16xf32>
    %add3A_182 = arith.addf %add3A_170, %select_n3A_181 : vector<16xf32>
    %eq3A_183 = arith.constant 11 : i32
    %eq3A_184 = vector.broadcast %eq3A_183 : i32 to vector<16xi32>
    %eq3A_185 = arith.cmpi eq, %iota3A, %eq3A_184 : vector<16xi32>
    %reduce_sum3A_186 = arith.constant true
    %reduce_sum3A_187 = vector.broadcast %reduce_sum3A_186 : i1 to vector<16xi1>
    %reduce_sum3A_188 = tpu.scan <sum>, %scan3A_50#11 masked %reduce_sum3A_187 : vector<16xf32>, vector<16xi1> -> vector<16xf32>
    %reduce_sum3A_189 = vector.extract %reduce_sum3A_188[15] : f32 from vector<16xf32>
    %jit3A_190 = arith.constant 0.000000e+00 : f32
    %broadcast_in_dim3A_191 = vector.broadcast %reduce_sum3A_189 : f32 to vector<16xf32>
    %broadcast_in_dim3A_192 = vector.broadcast %jit3A_190 : f32 to vector<16xf32>
    %select_n3A_193 = arith.select %eq3A_185, %broadcast_in_dim3A_191, %broadcast_in_dim3A_192 : vector<16xi1>, vector<16xf32>
    %add3A_194 = arith.addf %add3A_182, %select_n3A_193 : vector<16xf32>
    %eq3A_195 = arith.constant 12 : i32
    %eq3A_196 = vector.broadcast %eq3A_195 : i32 to vector<16xi32>
    %eq3A_197 = arith.cmpi eq, %iota3A, %eq3A_196 : vector<16xi32>
    %reduce_sum3A_198 = arith.constant true
    %reduce_sum3A_199 = vector.broadcast %reduce_sum3A_198 : i1 to vector<16xi1>
    %reduce_sum3A_200 = tpu.scan <sum>, %scan3A_50#12 masked %reduce_sum3A_199 : vector<16xf32>, vector<16xi1> -> vector<16xf32>
    %reduce_sum3A_201 = vector.extract %reduce_sum3A_200[15] : f32 from vector<16xf32>
    %jit3A_202 = arith.constant 0.000000e+00 : f32
    %broadcast_in_dim3A_203 = vector.broadcast %reduce_sum3A_201 : f32 to vector<16xf32>
    %broadcast_in_dim3A_204 = vector.broadcast %jit3A_202 : f32 to vector<16xf32>
    %select_n3A_205 = arith.select %eq3A_197, %broadcast_in_dim3A_203, %broadcast_in_dim3A_204 : vector<16xi1>, vector<16xf32>
    %add3A_206 = arith.addf %add3A_194, %select_n3A_205 : vector<16xf32>
    %eq3A_207 = arith.constant 13 : i32
    %eq3A_208 = vector.broadcast %eq3A_207 : i32 to vector<16xi32>
    %eq3A_209 = arith.cmpi eq, %iota3A, %eq3A_208 : vector<16xi32>
    %reduce_sum3A_210 = arith.constant true
    %reduce_sum3A_211 = vector.broadcast %reduce_sum3A_210 : i1 to vector<16xi1>
    %reduce_sum3A_212 = tpu.scan <sum>, %scan3A_50#13 masked %reduce_sum3A_211 : vector<16xf32>, vector<16xi1> -> vector<16xf32>
    %reduce_sum3A_213 = vector.extract %reduce_sum3A_212[15] : f32 from vector<16xf32>
    %jit3A_214 = arith.constant 0.000000e+00 : f32
    %broadcast_in_dim3A_215 = vector.broadcast %reduce_sum3A_213 : f32 to vector<16xf32>
    %broadcast_in_dim3A_216 = vector.broadcast %jit3A_214 : f32 to vector<16xf32>
    %select_n3A_217 = arith.select %eq3A_209, %broadcast_in_dim3A_215, %broadcast_in_dim3A_216 : vector<16xi1>, vector<16xf32>
    %add3A_218 = arith.addf %add3A_206, %select_n3A_217 : vector<16xf32>
    %eq3A_219 = arith.constant 14 : i32
    %eq3A_220 = vector.broadcast %eq3A_219 : i32 to vector<16xi32>
    %eq3A_221 = arith.cmpi eq, %iota3A, %eq3A_220 : vector<16xi32>
    %reduce_sum3A_222 = arith.constant true
    %reduce_sum3A_223 = vector.broadcast %reduce_sum3A_222 : i1 to vector<16xi1>
    %reduce_sum3A_224 = tpu.scan <sum>, %scan3A_50#14 masked %reduce_sum3A_223 : vector<16xf32>, vector<16xi1> -> vector<16xf32>
    %reduce_sum3A_225 = vector.extract %reduce_sum3A_224[15] : f32 from vector<16xf32>
    %jit3A_226 = arith.constant 0.000000e+00 : f32
    %broadcast_in_dim3A_227 = vector.broadcast %reduce_sum3A_225 : f32 to vector<16xf32>
    %broadcast_in_dim3A_228 = vector.broadcast %jit3A_226 : f32 to vector<16xf32>
    %select_n3A_229 = arith.select %eq3A_221, %broadcast_in_dim3A_227, %broadcast_in_dim3A_228 : vector<16xi1>, vector<16xf32>
    %add3A_230 = arith.addf %add3A_218, %select_n3A_229 : vector<16xf32>
    %eq3A_231 = arith.constant 15 : i32
    %eq3A_232 = vector.broadcast %eq3A_231 : i32 to vector<16xi32>
    %eq3A_233 = arith.cmpi eq, %iota3A, %eq3A_232 : vector<16xi32>
    %reduce_sum3A_234 = arith.constant true
    %reduce_sum3A_235 = vector.broadcast %reduce_sum3A_234 : i1 to vector<16xi1>
    %reduce_sum3A_236 = tpu.scan <sum>, %scan3A_50#15 masked %reduce_sum3A_235 : vector<16xf32>, vector<16xi1> -> vector<16xf32>
    %reduce_sum3A_237 = vector.extract %reduce_sum3A_236[15] : f32 from vector<16xf32>
    %jit3A_238 = arith.constant 0.000000e+00 : f32
    %broadcast_in_dim3A_239 = vector.broadcast %reduce_sum3A_237 : f32 to vector<16xf32>
    %broadcast_in_dim3A_240 = vector.broadcast %jit3A_238 : f32 to vector<16xf32>
    %select_n3A_241 = arith.select %eq3A_233, %broadcast_in_dim3A_239, %broadcast_in_dim3A_240 : vector<16xi1>, vector<16xf32>
    %add3A_242 = arith.addf %add3A_230, %select_n3A_241 : vector<16xf32>
    %swap3A = arith.constant 0 : index
    %swap3A_243 = tpu.vector_load %arg10[%swap3A] {strides = array<i32>} : memref<48xf32, #tpu.memory_space<vmem>>, vector<16xf32>,
    tpu.vector_store %arg10[%swap3A], %add3A_242 {strides = array<i32>} : memref<48xf32, #tpu.memory_space<vmem>>, vector<16xf32>,
    %eq3A_244 = arith.constant 0 : i32
    %eq3A_245 = vector.broadcast %eq3A_244 : i32 to vector<16xi32>
    %eq3A_246 = arith.cmpi eq, %iota3A, %eq3A_245 : vector<16xi32>
    %reduce_sum3A_247 = arith.constant true
    %reduce_sum3A_248 = vector.broadcast %reduce_sum3A_247 : i1 to vector<16xi1>
    %reduce_sum3A_249 = tpu.scan <sum>, %scan3A_50#16 masked %reduce_sum3A_248 : vector<16xf32>, vector<16xi1> -> vector<16xf32>
    %reduce_sum3A_250 = vector.extract %reduce_sum3A_249[15] : f32 from vector<16xf32>
    %jit3A_251 = arith.constant 0.000000e+00 : f32
    %broadcast_in_dim3A_252 = vector.broadcast %reduce_sum3A_250 : f32 to vector<16xf32>
    %broadcast_in_dim3A_253 = vector.broadcast %jit3A_251 : f32 to vector<16xf32>
    %select_n3A_254 = arith.select %eq3A_246, %broadcast_in_dim3A_252, %broadcast_in_dim3A_253 : vector<16xi1>, vector<16xf32>
    %add3A_255 = arith.addf %broadcast_in_dim3A_46, %select_n3A_254 : vector<16xf32>
    %eq3A_256 = arith.constant 1 : i32
    %eq3A_257 = vector.broadcast %eq3A_256 : i32 to vector<16xi32>
    %eq3A_258 = arith.cmpi eq, %iota3A, %eq3A_257 : vector<16xi32>
    %reduce_sum3A_259 = arith.constant true
    %reduce_sum3A_260 = vector.broadcast %reduce_sum3A_259 : i1 to vector<16xi1>
    %reduce_sum3A_261 = tpu.scan <sum>, %scan3A_50#17 masked %reduce_sum3A_260 : vector<16xf32>, vector<16xi1> -> vector<16xf32>
    %reduce_sum3A_262 = vector.extract %reduce_sum3A_261[15] : f32 from vector<16xf32>
    %jit3A_263 = arith.constant 0.000000e+00 : f32
    %broadcast_in_dim3A_264 = vector.broadcast %reduce_sum3A_262 : f32 to vector<16xf32>
    %broadcast_in_dim3A_265 = vector.broadcast %jit3A_263 : f32 to vector<16xf32>
    %select_n3A_266 = arith.select %eq3A_258, %broadcast_in_dim3A_264, %broadcast_in_dim3A_265 : vector<16xi1>, vector<16xf32>
    %add3A_267 = arith.addf %add3A_255, %select_n3A_266 : vector<16xf32>
    %eq3A_268 = arith.constant 2 : i32
    %eq3A_269 = vector.broadcast %eq3A_268 : i32 to vector<16xi32>
    %eq3A_270 = arith.cmpi eq, %iota3A, %eq3A_269 : vector<16xi32>
    %reduce_sum3A_271 = arith.constant true
    %reduce_sum3A_272 = vector.broadcast %reduce_sum3A_271 : i1 to vector<16xi1>
    %reduce_sum3A_273 = tpu.scan <sum>, %scan3A_50#18 masked %reduce_sum3A_272 : vector<16xf32>, vector<16xi1> -> vector<16xf32>
    %reduce_sum3A_274 = vector.extract %reduce_sum3A_273[15] : f32 from vector<16xf32>
    %jit3A_275 = arith.constant 0.000000e+00 : f32
    %broadcast_in_dim3A_276 = vector.broadcast %reduce_sum3A_274 : f32 to vector<16xf32>
    %broadcast_in_dim3A_277 = vector.broadcast %jit3A_275 : f32 to vector<16xf32>
    %select_n3A_278 = arith.select %eq3A_270, %broadcast_in_dim3A_276, %broadcast_in_dim3A_277 : vector<16xi1>, vector<16xf32>
    %add3A_279 = arith.addf %add3A_267, %select_n3A_278 : vector<16xf32>
    %eq3A_280 = arith.constant 3 : i32
    %eq3A_281 = vector.broadcast %eq3A_280 : i32 to vector<16xi32>
    %eq3A_282 = arith.cmpi eq, %iota3A, %eq3A_281 : vector<16xi32>
    %reduce_sum3A_283 = arith.constant true
    %reduce_sum3A_284 = vector.broadcast %reduce_sum3A_283 : i1 to vector<16xi1>
    %reduce_sum3A_285 = tpu.scan <sum>, %scan3A_50#19 masked %reduce_sum3A_284 : vector<16xf32>, vector<16xi1> -> vector<16xf32>
    %reduce_sum3A_286 = vector.extract %reduce_sum3A_285[15] : f32 from vector<16xf32>
    %jit3A_287 = arith.constant 0.000000e+00 : f32
    %broadcast_in_dim3A_288 = vector.broadcast %reduce_sum3A_286 : f32 to vector<16xf32>
    %broadcast_in_dim3A_289 = vector.broadcast %jit3A_287 : f32 to vector<16xf32>
    %select_n3A_290 = arith.select %eq3A_282, %broadcast_in_dim3A_288, %broadcast_in_dim3A_289 : vector<16xi1>, vector<16xf32>
    %add3A_291 = arith.addf %add3A_279, %select_n3A_290 : vector<16xf32>
    %eq3A_292 = arith.constant 4 : i32
    %eq3A_293 = vector.broadcast %eq3A_292 : i32 to vector<16xi32>
    %eq3A_294 = arith.cmpi eq, %iota3A, %eq3A_293 : vector<16xi32>
    %reduce_sum3A_295 = arith.constant true
    %reduce_sum3A_296 = vector.broadcast %reduce_sum3A_295 : i1 to vector<16xi1>
    %reduce_sum3A_297 = tpu.scan <sum>, %scan3A_50#20 masked %reduce_sum3A_296 : vector<16xf32>, vector<16xi1> -> vector<16xf32>
    %reduce_sum3A_298 = vector.extract %reduce_sum3A_297[15] : f32 from vector<16xf32>
    %jit3A_299 = arith.constant 0.000000e+00 : f32
    %broadcast_in_dim3A_300 = vector.broadcast %reduce_sum3A_298 : f32 to vector<16xf32>
    %broadcast_in_dim3A_301 = vector.broadcast %jit3A_299 : f32 to vector<16xf32>
    %select_n3A_302 = arith.select %eq3A_294, %broadcast_in_dim3A_300, %broadcast_in_dim3A_301 : vector<16xi1>, vector<16xf32>
    %add3A_303 = arith.addf %add3A_291, %select_n3A_302 : vector<16xf32>
    %eq3A_304 = arith.constant 5 : i32
    %eq3A_305 = vector.broadcast %eq3A_304 : i32 to vector<16xi32>
    %eq3A_306 = arith.cmpi eq, %iota3A, %eq3A_305 : vector<16xi32>
    %reduce_sum3A_307 = arith.constant true
    %reduce_sum3A_308 = vector.broadcast %reduce_sum3A_307 : i1 to vector<16xi1>
    %reduce_sum3A_309 = tpu.scan <sum>, %scan3A_50#21 masked %reduce_sum3A_308 : vector<16xf32>, vector<16xi1> -> vector<16xf32>
    %reduce_sum3A_310 = vector.extract %reduce_sum3A_309[15] : f32 from vector<16xf32>
    %jit3A_311 = arith.constant 0.000000e+00 : f32
    %broadcast_in_dim3A_312 = vector.broadcast %reduce_sum3A_310 : f32 to vector<16xf32>
    %broadcast_in_dim3A_313 = vector.broadcast %jit3A_311 : f32 to vector<16xf32>
    %select_n3A_314 = arith.select %eq3A_306, %broadcast_in_dim3A_312, %broadcast_in_dim3A_313 : vector<16xi1>, vector<16xf32>
    %add3A_315 = arith.addf %add3A_303, %select_n3A_314 : vector<16xf32>
    %eq3A_316 = arith.constant 6 : i32
    %eq3A_317 = vector.broadcast %eq3A_316 : i32 to vector<16xi32>
    %eq3A_318 = arith.cmpi eq, %iota3A, %eq3A_317 : vector<16xi32>
    %reduce_sum3A_319 = arith.constant true
    %reduce_sum3A_320 = vector.broadcast %reduce_sum3A_319 : i1 to vector<16xi1>
    %reduce_sum3A_321 = tpu.scan <sum>, %scan3A_50#22 masked %reduce_sum3A_320 : vector<16xf32>, vector<16xi1> -> vector<16xf32>
    %reduce_sum3A_322 = vector.extract %reduce_sum3A_321[15] : f32 from vector<16xf32>
    %jit3A_323 = arith.constant 0.000000e+00 : f32
    %broadcast_in_dim3A_324 = vector.broadcast %reduce_sum3A_322 : f32 to vector<16xf32>
    %broadcast_in_dim3A_325 = vector.broadcast %jit3A_323 : f32 to vector<16xf32>
    %select_n3A_326 = arith.select %eq3A_318, %broadcast_in_dim3A_324, %broadcast_in_dim3A_325 : vector<16xi1>, vector<16xf32>
    %add3A_327 = arith.addf %add3A_315, %select_n3A_326 : vector<16xf32>
    %eq3A_328 = arith.constant 7 : i32
    %eq3A_329 = vector.broadcast %eq3A_328 : i32 to vector<16xi32>
    %eq3A_330 = arith.cmpi eq, %iota3A, %eq3A_329 : vector<16xi32>
    %reduce_sum3A_331 = arith.constant true
    %reduce_sum3A_332 = vector.broadcast %reduce_sum3A_331 : i1 to vector<16xi1>
    %reduce_sum3A_333 = tpu.scan <sum>, %scan3A_50#23 masked %reduce_sum3A_332 : vector<16xf32>, vector<16xi1> -> vector<16xf32>
    %reduce_sum3A_334 = vector.extract %reduce_sum3A_333[15] : f32 from vector<16xf32>
    %jit3A_335 = arith.constant 0.000000e+00 : f32
    %broadcast_in_dim3A_336 = vector.broadcast %reduce_sum3A_334 : f32 to vector<16xf32>
    %broadcast_in_dim3A_337 = vector.broadcast %jit3A_335 : f32 to vector<16xf32>
    %select_n3A_338 = arith.select %eq3A_330, %broadcast_in_dim3A_336, %broadcast_in_dim3A_337 : vector<16xi1>, vector<16xf32>
    %add3A_339 = arith.addf %add3A_327, %select_n3A_338 : vector<16xf32>
    %eq3A_340 = arith.constant 8 : i32
    %eq3A_341 = vector.broadcast %eq3A_340 : i32 to vector<16xi32>
    %eq3A_342 = arith.cmpi eq, %iota3A, %eq3A_341 : vector<16xi32>
    %reduce_sum3A_343 = arith.constant true
    %reduce_sum3A_344 = vector.broadcast %reduce_sum3A_343 : i1 to vector<16xi1>
    %reduce_sum3A_345 = tpu.scan <sum>, %scan3A_50#24 masked %reduce_sum3A_344 : vector<16xf32>, vector<16xi1> -> vector<16xf32>
    %reduce_sum3A_346 = vector.extract %reduce_sum3A_345[15] : f32 from vector<16xf32>
    %jit3A_347 = arith.constant 0.000000e+00 : f32
    %broadcast_in_dim3A_348 = vector.broadcast %reduce_sum3A_346 : f32 to vector<16xf32>
    %broadcast_in_dim3A_349 = vector.broadcast %jit3A_347 : f32 to vector<16xf32>
    %select_n3A_350 = arith.select %eq3A_342, %broadcast_in_dim3A_348, %broadcast_in_dim3A_349 : vector<16xi1>, vector<16xf32>
    %add3A_351 = arith.addf %add3A_339, %select_n3A_350 : vector<16xf32>
    %eq3A_352 = arith.constant 9 : i32
    %eq3A_353 = vector.broadcast %eq3A_352 : i32 to vector<16xi32>
    %eq3A_354 = arith.cmpi eq, %iota3A, %eq3A_353 : vector<16xi32>
    %reduce_sum3A_355 = arith.constant true
    %reduce_sum3A_356 = vector.broadcast %reduce_sum3A_355 : i1 to vector<16xi1>
    %reduce_sum3A_357 = tpu.scan <sum>, %scan3A_50#25 masked %reduce_sum3A_356 : vector<16xf32>, vector<16xi1> -> vector<16xf32>
    %reduce_sum3A_358 = vector.extract %reduce_sum3A_357[15] : f32 from vector<16xf32>
    %jit3A_359 = arith.constant 0.000000e+00 : f32
    %broadcast_in_dim3A_360 = vector.broadcast %reduce_sum3A_358 : f32 to vector<16xf32>
    %broadcast_in_dim3A_361 = vector.broadcast %jit3A_359 : f32 to vector<16xf32>
    %select_n3A_362 = arith.select %eq3A_354, %broadcast_in_dim3A_360, %broadcast_in_dim3A_361 : vector<16xi1>, vector<16xf32>
    %add3A_363 = arith.addf %add3A_351, %select_n3A_362 : vector<16xf32>
    %eq3A_364 = arith.constant 10 : i32
    %eq3A_365 = vector.broadcast %eq3A_364 : i32 to vector<16xi32>
    %eq3A_366 = arith.cmpi eq, %iota3A, %eq3A_365 : vector<16xi32>
    %reduce_sum3A_367 = arith.constant true
    %reduce_sum3A_368 = vector.broadcast %reduce_sum3A_367 : i1 to vector<16xi1>
    %reduce_sum3A_369 = tpu.scan <sum>, %scan3A_50#26 masked %reduce_sum3A_368 : vector<16xf32>, vector<16xi1> -> vector<16xf32>
    %reduce_sum3A_370 = vector.extract %reduce_sum3A_369[15] : f32 from vector<16xf32>
    %jit3A_371 = arith.constant 0.000000e+00 : f32
    %broadcast_in_dim3A_372 = vector.broadcast %reduce_sum3A_370 : f32 to vector<16xf32>
    %broadcast_in_dim3A_373 = vector.broadcast %jit3A_371 : f32 to vector<16xf32>
    %select_n3A_374 = arith.select %eq3A_366, %broadcast_in_dim3A_372, %broadcast_in_dim3A_373 : vector<16xi1>, vector<16xf32>
    %add3A_375 = arith.addf %add3A_363, %select_n3A_374 : vector<16xf32>
    %eq3A_376 = arith.constant 11 : i32
    %eq3A_377 = vector.broadcast %eq3A_376 : i32 to vector<16xi32>
    %eq3A_378 = arith.cmpi eq, %iota3A, %eq3A_377 : vector<16xi32>
    %reduce_sum3A_379 = arith.constant true
    %reduce_sum3A_380 = vector.broadcast %reduce_sum3A_379 : i1 to vector<16xi1>
    %reduce_sum3A_381 = tpu.scan <sum>, %scan3A_50#27 masked %reduce_sum3A_380 : vector<16xf32>, vector<16xi1> -> vector<16xf32>
    %reduce_sum3A_382 = vector.extract %reduce_sum3A_381[15] : f32 from vector<16xf32>
    %jit3A_383 = arith.constant 0.000000e+00 : f32
    %broadcast_in_dim3A_384 = vector.broadcast %reduce_sum3A_382 : f32 to vector<16xf32>
    %broadcast_in_dim3A_385 = vector.broadcast %jit3A_383 : f32 to vector<16xf32>
    %select_n3A_386 = arith.select %eq3A_378, %broadcast_in_dim3A_384, %broadcast_in_dim3A_385 : vector<16xi1>, vector<16xf32>
    %add3A_387 = arith.addf %add3A_375, %select_n3A_386 : vector<16xf32>
    %eq3A_388 = arith.constant 12 : i32
    %eq3A_389 = vector.broadcast %eq3A_388 : i32 to vector<16xi32>
    %eq3A_390 = arith.cmpi eq, %iota3A, %eq3A_389 : vector<16xi32>
    %reduce_sum3A_391 = arith.constant true
    %reduce_sum3A_392 = vector.broadcast %reduce_sum3A_391 : i1 to vector<16xi1>
    %reduce_sum3A_393 = tpu.scan <sum>, %scan3A_50#28 masked %reduce_sum3A_392 : vector<16xf32>, vector<16xi1> -> vector<16xf32>
    %reduce_sum3A_394 = vector.extract %reduce_sum3A_393[15] : f32 from vector<16xf32>
    %jit3A_395 = arith.constant 0.000000e+00 : f32
    %broadcast_in_dim3A_396 = vector.broadcast %reduce_sum3A_394 : f32 to vector<16xf32>
    %broadcast_in_dim3A_397 = vector.broadcast %jit3A_395 : f32 to vector<16xf32>
    %select_n3A_398 = arith.select %eq3A_390, %broadcast_in_dim3A_396, %broadcast_in_dim3A_397 : vector<16xi1>, vector<16xf32>
    %add3A_399 = arith.addf %add3A_387, %select_n3A_398 : vector<16xf32>
    %eq3A_400 = arith.constant 13 : i32
    %eq3A_401 = vector.broadcast %eq3A_400 : i32 to vector<16xi32>
    %eq3A_402 = arith.cmpi eq, %iota3A, %eq3A_401 : vector<16xi32>
    %reduce_sum3A_403 = arith.constant true
    %reduce_sum3A_404 = vector.broadcast %reduce_sum3A_403 : i1 to vector<16xi1>
    %reduce_sum3A_405 = tpu.scan <sum>, %scan3A_50#29 masked %reduce_sum3A_404 : vector<16xf32>, vector<16xi1> -> vector<16xf32>
    %reduce_sum3A_406 = vector.extract %reduce_sum3A_405[15] : f32 from vector<16xf32>
    %jit3A_407 = arith.constant 0.000000e+00 : f32
    %broadcast_in_dim3A_408 = vector.broadcast %reduce_sum3A_406 : f32 to vector<16xf32>
    %broadcast_in_dim3A_409 = vector.broadcast %jit3A_407 : f32 to vector<16xf32>
    %select_n3A_410 = arith.select %eq3A_402, %broadcast_in_dim3A_408, %broadcast_in_dim3A_409 : vector<16xi1>, vector<16xf32>
    %add3A_411 = arith.addf %add3A_399, %select_n3A_410 : vector<16xf32>
    %eq3A_412 = arith.constant 14 : i32
    %eq3A_413 = vector.broadcast %eq3A_412 : i32 to vector<16xi32>
    %eq3A_414 = arith.cmpi eq, %iota3A, %eq3A_413 : vector<16xi32>
    %reduce_sum3A_415 = arith.constant true
    %reduce_sum3A_416 = vector.broadcast %reduce_sum3A_415 : i1 to vector<16xi1>
    %reduce_sum3A_417 = tpu.scan <sum>, %scan3A_50#30 masked %reduce_sum3A_416 : vector<16xf32>, vector<16xi1> -> vector<16xf32>
    %reduce_sum3A_418 = vector.extract %reduce_sum3A_417[15] : f32 from vector<16xf32>
    %jit3A_419 = arith.constant 0.000000e+00 : f32
    %broadcast_in_dim3A_420 = vector.broadcast %reduce_sum3A_418 : f32 to vector<16xf32>
    %broadcast_in_dim3A_421 = vector.broadcast %jit3A_419 : f32 to vector<16xf32>
    %select_n3A_422 = arith.select %eq3A_414, %broadcast_in_dim3A_420, %broadcast_in_dim3A_421 : vector<16xi1>, vector<16xf32>
    %add3A_423 = arith.addf %add3A_411, %select_n3A_422 : vector<16xf32>
    %eq3A_424 = arith.constant 15 : i32
    %eq3A_425 = vector.broadcast %eq3A_424 : i32 to vector<16xi32>
    %eq3A_426 = arith.cmpi eq, %iota3A, %eq3A_425 : vector<16xi32>
    %reduce_sum3A_427 = arith.constant true
    %reduce_sum3A_428 = vector.broadcast %reduce_sum3A_427 : i1 to vector<16xi1>
    %reduce_sum3A_429 = tpu.scan <sum>, %scan3A_50#31 masked %reduce_sum3A_428 : vector<16xf32>, vector<16xi1> -> vector<16xf32>
    %reduce_sum3A_430 = vector.extract %reduce_sum3A_429[15] : f32 from vector<16xf32>
    %jit3A_431 = arith.constant 0.000000e+00 : f32
    %broadcast_in_dim3A_432 = vector.broadcast %reduce_sum3A_430 : f32 to vector<16xf32>
    %broadcast_in_dim3A_433 = vector.broadcast %jit3A_431 : f32 to vector<16xf32>
    %select_n3A_434 = arith.select %eq3A_426, %broadcast_in_dim3A_432, %broadcast_in_dim3A_433 : vector<16xi1>, vector<16xf32>
    %add3A_435 = arith.addf %add3A_423, %select_n3A_434 : vector<16xf32>
    %swap3A_436 = arith.constant 16 : index
    %swap3A_437 = tpu.vector_load %arg10[%swap3A_436] {strides = array<i32>} : memref<48xf32, #tpu.memory_space<vmem>>, vector<16xf32>,
    tpu.vector_store %arg10[%swap3A_436], %add3A_435 {strides = array<i32>} : memref<48xf32, #tpu.memory_space<vmem>>, vector<16xf32>,
    %eq3A_438 = arith.constant 0 : i32
    %eq3A_439 = vector.broadcast %eq3A_438 : i32 to vector<16xi32>
    %eq3A_440 = arith.cmpi eq, %iota3A, %eq3A_439 : vector<16xi32>
    %reduce_sum3A_441 = arith.constant true
    %reduce_sum3A_442 = vector.broadcast %reduce_sum3A_441 : i1 to vector<16xi1>
    %reduce_sum3A_443 = tpu.scan <sum>, %scan3A_50#32 masked %reduce_sum3A_442 : vector<16xf32>, vector<16xi1> -> vector<16xf32>
    %reduce_sum3A_444 = vector.extract %reduce_sum3A_443[15] : f32 from vector<16xf32>
    %jit3A_445 = arith.constant 0.000000e+00 : f32
    %broadcast_in_dim3A_446 = vector.broadcast %reduce_sum3A_444 : f32 to vector<16xf32>
    %broadcast_in_dim3A_447 = vector.broadcast %jit3A_445 : f32 to vector<16xf32>
    %select_n3A_448 = arith.select %eq3A_440, %broadcast_in_dim3A_446, %broadcast_in_dim3A_447 : vector<16xi1>, vector<16xf32>
    %add3A_449 = arith.addf %broadcast_in_dim3A_46, %select_n3A_448 : vector<16xf32>
    %eq3A_450 = arith.constant 1 : i32
    %eq3A_451 = vector.broadcast %eq3A_450 : i32 to vector<16xi32>
    %eq3A_452 = arith.cmpi eq, %iota3A, %eq3A_451 : vector<16xi32>
    %reduce_sum3A_453 = arith.constant true
    %reduce_sum3A_454 = vector.broadcast %reduce_sum3A_453 : i1 to vector<16xi1>
    %reduce_sum3A_455 = tpu.scan <sum>, %scan3A_50#33 masked %reduce_sum3A_454 : vector<16xf32>, vector<16xi1> -> vector<16xf32>
    %reduce_sum3A_456 = vector.extract %reduce_sum3A_455[15] : f32 from vector<16xf32>
    %jit3A_457 = arith.constant 0.000000e+00 : f32
    %broadcast_in_dim3A_458 = vector.broadcast %reduce_sum3A_456 : f32 to vector<16xf32>
    %broadcast_in_dim3A_459 = vector.broadcast %jit3A_457 : f32 to vector<16xf32>
    %select_n3A_460 = arith.select %eq3A_452, %broadcast_in_dim3A_458, %broadcast_in_dim3A_459 : vector<16xi1>, vector<16xf32>
    %add3A_461 = arith.addf %add3A_449, %select_n3A_460 : vector<16xf32>
    %eq3A_462 = arith.constant 2 : i32
    %eq3A_463 = vector.broadcast %eq3A_462 : i32 to vector<16xi32>
    %eq3A_464 = arith.cmpi eq, %iota3A, %eq3A_463 : vector<16xi32>
    %reduce_sum3A_465 = arith.constant true
    %reduce_sum3A_466 = vector.broadcast %reduce_sum3A_465 : i1 to vector<16xi1>
    %reduce_sum3A_467 = tpu.scan <sum>, %scan3A_50#34 masked %reduce_sum3A_466 : vector<16xf32>, vector<16xi1> -> vector<16xf32>
    %reduce_sum3A_468 = vector.extract %reduce_sum3A_467[15] : f32 from vector<16xf32>
    %jit3A_469 = arith.constant 0.000000e+00 : f32
    %broadcast_in_dim3A_470 = vector.broadcast %reduce_sum3A_468 : f32 to vector<16xf32>
    %broadcast_in_dim3A_471 = vector.broadcast %jit3A_469 : f32 to vector<16xf32>
    %select_n3A_472 = arith.select %eq3A_464, %broadcast_in_dim3A_470, %broadcast_in_dim3A_471 : vector<16xi1>, vector<16xf32>
    %add3A_473 = arith.addf %add3A_461, %select_n3A_472 : vector<16xf32>
    %eq3A_474 = arith.constant 3 : i32
    %eq3A_475 = vector.broadcast %eq3A_474 : i32 to vector<16xi32>
    %eq3A_476 = arith.cmpi eq, %iota3A, %eq3A_475 : vector<16xi32>
    %reduce_sum3A_477 = arith.constant true
    %reduce_sum3A_478 = vector.broadcast %reduce_sum3A_477 : i1 to vector<16xi1>
    %reduce_sum3A_479 = tpu.scan <sum>, %scan3A_50#35 masked %reduce_sum3A_478 : vector<16xf32>, vector<16xi1> -> vector<16xf32>
    %reduce_sum3A_480 = vector.extract %reduce_sum3A_479[15] : f32 from vector<16xf32>
    %jit3A_481 = arith.constant 0.000000e+00 : f32
    %broadcast_in_dim3A_482 = vector.broadcast %reduce_sum3A_480 : f32 to vector<16xf32>
    %broadcast_in_dim3A_483 = vector.broadcast %jit3A_481 : f32 to vector<16xf32>
    %select_n3A_484 = arith.select %eq3A_476, %broadcast_in_dim3A_482, %broadcast_in_dim3A_483 : vector<16xi1>, vector<16xf32>
    %add3A_485 = arith.addf %add3A_473, %select_n3A_484 : vector<16xf32>
    %eq3A_486 = arith.constant 4 : i32
    %eq3A_487 = vector.broadcast %eq3A_486 : i32 to vector<16xi32>
    %eq3A_488 = arith.cmpi eq, %iota3A, %eq3A_487 : vector<16xi32>
    %reduce_sum3A_489 = arith.constant true
    %reduce_sum3A_490 = vector.broadcast %reduce_sum3A_489 : i1 to vector<16xi1>
    %reduce_sum3A_491 = tpu.scan <sum>, %scan3A_50#36 masked %reduce_sum3A_490 : vector<16xf32>, vector<16xi1> -> vector<16xf32>
    %reduce_sum3A_492 = vector.extract %reduce_sum3A_491[15] : f32 from vector<16xf32>
    %jit3A_493 = arith.constant 0.000000e+00 : f32
    %broadcast_in_dim3A_494 = vector.broadcast %reduce_sum3A_492 : f32 to vector<16xf32>
    %broadcast_in_dim3A_495 = vector.broadcast %jit3A_493 : f32 to vector<16xf32>
    %select_n3A_496 = arith.select %eq3A_488, %broadcast_in_dim3A_494, %broadcast_in_dim3A_495 : vector<16xi1>, vector<16xf32>
    %add3A_497 = arith.addf %add3A_485, %select_n3A_496 : vector<16xf32>
    %eq3A_498 = arith.constant 5 : i32
    %eq3A_499 = vector.broadcast %eq3A_498 : i32 to vector<16xi32>
    %eq3A_500 = arith.cmpi eq, %iota3A, %eq3A_499 : vector<16xi32>
    %reduce_sum3A_501 = arith.constant true
    %reduce_sum3A_502 = vector.broadcast %reduce_sum3A_501 : i1 to vector<16xi1>
    %reduce_sum3A_503 = tpu.scan <sum>, %scan3A_50#37 masked %reduce_sum3A_502 : vector<16xf32>, vector<16xi1> -> vector<16xf32>
    %reduce_sum3A_504 = vector.extract %reduce_sum3A_503[15] : f32 from vector<16xf32>
    %jit3A_505 = arith.constant 0.000000e+00 : f32
    %broadcast_in_dim3A_506 = vector.broadcast %reduce_sum3A_504 : f32 to vector<16xf32>
    %broadcast_in_dim3A_507 = vector.broadcast %jit3A_505 : f32 to vector<16xf32>
    %select_n3A_508 = arith.select %eq3A_500, %broadcast_in_dim3A_506, %broadcast_in_dim3A_507 : vector<16xi1>, vector<16xf32>
    %add3A_509 = arith.addf %add3A_497, %select_n3A_508 : vector<16xf32>
    %eq3A_510 = arith.constant 6 : i32
    %eq3A_511 = vector.broadcast %eq3A_510 : i32 to vector<16xi32>
    %eq3A_512 = arith.cmpi eq, %iota3A, %eq3A_511 : vector<16xi32>
    %reduce_sum3A_513 = arith.constant true
    %reduce_sum3A_514 = vector.broadcast %reduce_sum3A_513 : i1 to vector<16xi1>
    %reduce_sum3A_515 = tpu.scan <sum>, %scan3A_50#38 masked %reduce_sum3A_514 : vector<16xf32>, vector<16xi1> -> vector<16xf32>
    %reduce_sum3A_516 = vector.extract %reduce_sum3A_515[15] : f32 from vector<16xf32>
    %jit3A_517 = arith.constant 0.000000e+00 : f32
    %broadcast_in_dim3A_518 = vector.broadcast %reduce_sum3A_516 : f32 to vector<16xf32>
    %broadcast_in_dim3A_519 = vector.broadcast %jit3A_517 : f32 to vector<16xf32>
    %select_n3A_520 = arith.select %eq3A_512, %broadcast_in_dim3A_518, %broadcast_in_dim3A_519 : vector<16xi1>, vector<16xf32>
    %add3A_521 = arith.addf %add3A_509, %select_n3A_520 : vector<16xf32>
    %eq3A_522 = arith.constant 7 : i32
    %eq3A_523 = vector.broadcast %eq3A_522 : i32 to vector<16xi32>
    %eq3A_524 = arith.cmpi eq, %iota3A, %eq3A_523 : vector<16xi32>
    %reduce_sum3A_525 = arith.constant true
    %reduce_sum3A_526 = vector.broadcast %reduce_sum3A_525 : i1 to vector<16xi1>
    %reduce_sum3A_527 = tpu.scan <sum>, %scan3A_50#39 masked %reduce_sum3A_526 : vector<16xf32>, vector<16xi1> -> vector<16xf32>
    %reduce_sum3A_528 = vector.extract %reduce_sum3A_527[15] : f32 from vector<16xf32>
    %jit3A_529 = arith.constant 0.000000e+00 : f32
    %broadcast_in_dim3A_530 = vector.broadcast %reduce_sum3A_528 : f32 to vector<16xf32>
    %broadcast_in_dim3A_531 = vector.broadcast %jit3A_529 : f32 to vector<16xf32>
    %select_n3A_532 = arith.select %eq3A_524, %broadcast_in_dim3A_530, %broadcast_in_dim3A_531 : vector<16xi1>, vector<16xf32>
    %add3A_533 = arith.addf %add3A_521, %select_n3A_532 : vector<16xf32>
    %eq3A_534 = arith.constant 8 : i32
    %eq3A_535 = vector.broadcast %eq3A_534 : i32 to vector<16xi32>
    %eq3A_536 = arith.cmpi eq, %iota3A, %eq3A_535 : vector<16xi32>
    %reduce_sum3A_537 = arith.constant true
    %reduce_sum3A_538 = vector.broadcast %reduce_sum3A_537 : i1 to vector<16xi1>
    %reduce_sum3A_539 = tpu.scan <sum>, %scan3A_50#40 masked %reduce_sum3A_538 : vector<16xf32>, vector<16xi1> -> vector<16xf32>
    %reduce_sum3A_540 = vector.extract %reduce_sum3A_539[15] : f32 from vector<16xf32>
    %jit3A_541 = arith.constant 0.000000e+00 : f32
    %broadcast_in_dim3A_542 = vector.broadcast %reduce_sum3A_540 : f32 to vector<16xf32>
    %broadcast_in_dim3A_543 = vector.broadcast %jit3A_541 : f32 to vector<16xf32>
    %select_n3A_544 = arith.select %eq3A_536, %broadcast_in_dim3A_542, %broadcast_in_dim3A_543 : vector<16xi1>, vector<16xf32>
    %add3A_545 = arith.addf %add3A_533, %select_n3A_544 : vector<16xf32>
    %eq3A_546 = arith.constant 9 : i32
    %eq3A_547 = vector.broadcast %eq3A_546 : i32 to vector<16xi32>
    %eq3A_548 = arith.cmpi eq, %iota3A, %eq3A_547 : vector<16xi32>
    %reduce_sum3A_549 = arith.constant true
    %reduce_sum3A_550 = vector.broadcast %reduce_sum3A_549 : i1 to vector<16xi1>
    %reduce_sum3A_551 = tpu.scan <sum>, %scan3A_50#41 masked %reduce_sum3A_550 : vector<16xf32>, vector<16xi1> -> vector<16xf32>
    %reduce_sum3A_552 = vector.extract %reduce_sum3A_551[15] : f32 from vector<16xf32>
    %jit3A_553 = arith.constant 0.000000e+00 : f32
    %broadcast_in_dim3A_554 = vector.broadcast %reduce_sum3A_552 : f32 to vector<16xf32>
    %broadcast_in_dim3A_555 = vector.broadcast %jit3A_553 : f32 to vector<16xf32>
    %select_n3A_556 = arith.select %eq3A_548, %broadcast_in_dim3A_554, %broadcast_in_dim3A_555 : vector<16xi1>, vector<16xf32>
    %add3A_557 = arith.addf %add3A_545, %select_n3A_556 : vector<16xf32>
    %eq3A_558 = arith.constant 10 : i32
    %eq3A_559 = vector.broadcast %eq3A_558 : i32 to vector<16xi32>
    %eq3A_560 = arith.cmpi eq, %iota3A, %eq3A_559 : vector<16xi32>
    %reduce_sum3A_561 = arith.constant true
    %reduce_sum3A_562 = vector.broadcast %reduce_sum3A_561 : i1 to vector<16xi1>
    %reduce_sum3A_563 = tpu.scan <sum>, %scan3A_50#42 masked %reduce_sum3A_562 : vector<16xf32>, vector<16xi1> -> vector<16xf32>
    %reduce_sum3A_564 = vector.extract %reduce_sum3A_563[15] : f32 from vector<16xf32>
    %jit3A_565 = arith.constant 0.000000e+00 : f32
    %broadcast_in_dim3A_566 = vector.broadcast %reduce_sum3A_564 : f32 to vector<16xf32>
    %broadcast_in_dim3A_567 = vector.broadcast %jit3A_565 : f32 to vector<16xf32>
    %select_n3A_568 = arith.select %eq3A_560, %broadcast_in_dim3A_566, %broadcast_in_dim3A_567 : vector<16xi1>, vector<16xf32>
    %add3A_569 = arith.addf %add3A_557, %select_n3A_568 : vector<16xf32>
    %eq3A_570 = arith.constant 11 : i32
    %eq3A_571 = vector.broadcast %eq3A_570 : i32 to vector<16xi32>
    %eq3A_572 = arith.cmpi eq, %iota3A, %eq3A_571 : vector<16xi32>
    %reduce_sum3A_573 = arith.constant true
    %reduce_sum3A_574 = vector.broadcast %reduce_sum3A_573 : i1 to vector<16xi1>
    %reduce_sum3A_575 = tpu.scan <sum>, %scan3A_50#43 masked %reduce_sum3A_574 : vector<16xf32>, vector<16xi1> -> vector<16xf32>
    %reduce_sum3A_576 = vector.extract %reduce_sum3A_575[15] : f32 from vector<16xf32>
    %jit3A_577 = arith.constant 0.000000e+00 : f32
    %broadcast_in_dim3A_578 = vector.broadcast %reduce_sum3A_576 : f32 to vector<16xf32>
    %broadcast_in_dim3A_579 = vector.broadcast %jit3A_577 : f32 to vector<16xf32>
    %select_n3A_580 = arith.select %eq3A_572, %broadcast_in_dim3A_578, %broadcast_in_dim3A_579 : vector<16xi1>, vector<16xf32>
    %add3A_581 = arith.addf %add3A_569, %select_n3A_580 : vector<16xf32>
    %eq3A_582 = arith.constant 12 : i32
    %eq3A_583 = vector.broadcast %eq3A_582 : i32 to vector<16xi32>
    %eq3A_584 = arith.cmpi eq, %iota3A, %eq3A_583 : vector<16xi32>
    %reduce_sum3A_585 = arith.constant true
    %reduce_sum3A_586 = vector.broadcast %reduce_sum3A_585 : i1 to vector<16xi1>
    %reduce_sum3A_587 = tpu.scan <sum>, %scan3A_50#44 masked %reduce_sum3A_586 : vector<16xf32>, vector<16xi1> -> vector<16xf32>
    %reduce_sum3A_588 = vector.extract %reduce_sum3A_587[15] : f32 from vector<16xf32>
    %jit3A_589 = arith.constant 0.000000e+00 : f32
    %broadcast_in_dim3A_590 = vector.broadcast %reduce_sum3A_588 : f32 to vector<16xf32>
    %broadcast_in_dim3A_591 = vector.broadcast %jit3A_589 : f32 to vector<16xf32>
    %select_n3A_592 = arith.select %eq3A_584, %broadcast_in_dim3A_590, %broadcast_in_dim3A_591 : vector<16xi1>, vector<16xf32>
    %add3A_593 = arith.addf %add3A_581, %select_n3A_592 : vector<16xf32>
    %eq3A_594 = arith.constant 13 : i32
    %eq3A_595 = vector.broadcast %eq3A_594 : i32 to vector<16xi32>
    %eq3A_596 = arith.cmpi eq, %iota3A, %eq3A_595 : vector<16xi32>
    %reduce_sum3A_597 = arith.constant true
    %reduce_sum3A_598 = vector.broadcast %reduce_sum3A_597 : i1 to vector<16xi1>
    %reduce_sum3A_599 = tpu.scan <sum>, %scan3A_50#45 masked %reduce_sum3A_598 : vector<16xf32>, vector<16xi1> -> vector<16xf32>
    %reduce_sum3A_600 = vector.extract %reduce_sum3A_599[15] : f32 from vector<16xf32>
    %jit3A_601 = arith.constant 0.000000e+00 : f32
    %broadcast_in_dim3A_602 = vector.broadcast %reduce_sum3A_600 : f32 to vector<16xf32>
    %broadcast_in_dim3A_603 = vector.broadcast %jit3A_601 : f32 to vector<16xf32>
    %select_n3A_604 = arith.select %eq3A_596, %broadcast_in_dim3A_602, %broadcast_in_dim3A_603 : vector<16xi1>, vector<16xf32>
    %add3A_605 = arith.addf %add3A_593, %select_n3A_604 : vector<16xf32>
    %eq3A_606 = arith.constant 14 : i32
    %eq3A_607 = vector.broadcast %eq3A_606 : i32 to vector<16xi32>
    %eq3A_608 = arith.cmpi eq, %iota3A, %eq3A_607 : vector<16xi32>
    %reduce_sum3A_609 = arith.constant true
    %reduce_sum3A_610 = vector.broadcast %reduce_sum3A_609 : i1 to vector<16xi1>
    %reduce_sum3A_611 = tpu.scan <sum>, %scan3A_50#46 masked %reduce_sum3A_610 : vector<16xf32>, vector<16xi1> -> vector<16xf32>
    %reduce_sum3A_612 = vector.extract %reduce_sum3A_611[15] : f32 from vector<16xf32>
    %jit3A_613 = arith.constant 0.000000e+00 : f32
    %broadcast_in_dim3A_614 = vector.broadcast %reduce_sum3A_612 : f32 to vector<16xf32>
    %broadcast_in_dim3A_615 = vector.broadcast %jit3A_613 : f32 to vector<16xf32>
    %select_n3A_616 = arith.select %eq3A_608, %broadcast_in_dim3A_614, %broadcast_in_dim3A_615 : vector<16xi1>, vector<16xf32>
    %add3A_617 = arith.addf %add3A_605, %select_n3A_616 : vector<16xf32>
    %eq3A_618 = arith.constant 15 : i32
    %eq3A_619 = vector.broadcast %eq3A_618 : i32 to vector<16xi32>
    %eq3A_620 = arith.cmpi eq, %iota3A, %eq3A_619 : vector<16xi32>
    %reduce_sum3A_621 = arith.constant true
    %reduce_sum3A_622 = vector.broadcast %reduce_sum3A_621 : i1 to vector<16xi1>
    %reduce_sum3A_623 = tpu.scan <sum>, %scan3A_50#47 masked %reduce_sum3A_622 : vector<16xf32>, vector<16xi1> -> vector<16xf32>
    %reduce_sum3A_624 = vector.extract %reduce_sum3A_623[15] : f32 from vector<16xf32>
    %jit3A_625 = arith.constant 0.000000e+00 : f32
    %broadcast_in_dim3A_626 = vector.broadcast %reduce_sum3A_624 : f32 to vector<16xf32>
    %broadcast_in_dim3A_627 = vector.broadcast %jit3A_625 : f32 to vector<16xf32>
    %select_n3A_628 = arith.select %eq3A_620, %broadcast_in_dim3A_626, %broadcast_in_dim3A_627 : vector<16xi1>, vector<16xf32>
    %add3A_629 = arith.addf %add3A_617, %select_n3A_628 : vector<16xf32>
    %swap3A_630 = arith.constant 32 : index
    %swap3A_631 = tpu.vector_load %arg10[%swap3A_630] {strides = array<i32>} : memref<48xf32, #tpu.memory_space<vmem>>, vector<16xf32>,
    tpu.vector_store %arg10[%swap3A_630], %add3A_629 {strides = array<i32>} : memref<48xf32, #tpu.memory_space<vmem>>, vector<16xf32>,
    %mul3A_632 = arith.constant 48 : i32
    %mul3A_633 = arith.muli %arg1, %mul3A_632 : i32
    "tpu.region"() ({
      %run_scoped3A = tpu.sem_alloc : memref<!tpu.dma_semaphore, #tpu.memory_space<semaphore_mem>>
      %dma_start3A_637 = tpu.memref_slice %arg15[%mul3A_633] : memref<768xf32, #tpu.memory_space<vmem_shared>> -> memref<48xf32, #tpu.memory_space<vmem_shared>>
      %dma_start3A_638 = tpu.memref_slice %arg15[%mul3A_633] : memref<768xf32, #tpu.memory_space<vmem_shared>> -> memref<48xf32, #tpu.memory_space<vmem_shared>>
      tpu.enqueue_dma source(%arg10 : memref<48xf32, #tpu.memory_space<vmem>>) target(%dma_start3A_638 : memref<48xf32, #tpu.memory_space<vmem_shared>>) target_semaphore(%run_scoped3A : memref<!tpu.dma_semaphore, #tpu.memory_space<semaphore_mem>>)
      %dma_wait3A_639 = tpu.memref_slice %arg15[%mul3A_633] : memref<768xf32, #tpu.memory_space<vmem_shared>> -> memref<48xf32, #tpu.memory_space<vmem_shared>>
      %dma_wait3A_640 = tpu.memref_slice %arg15[%mul3A_633] : memref<768xf32, #tpu.memory_space<vmem_shared>> -> memref<48xf32, #tpu.memory_space<vmem_shared>>
      tpu.wait_dma2 semaphore(%run_scoped3A : memref<!tpu.dma_semaphore, #tpu.memory_space<semaphore_mem>>) src(%arg10 : memref<48xf32, #tpu.memory_space<vmem>>) dst(%dma_wait3A_640 : memref<48xf32, #tpu.memory_space<vmem_shared>>)
      tpu.yield
    }) : () -> ()
    %barrier3A = arith.constant 0 : index
    tpu.barrier barrier_id(%barrier3A)
    %eq3A_634 = arith.constant 0 : i32
    %eq3A_635 = arith.cmpi eq, %select_n3A_30, %eq3A_634 : i32
    %convert_element_type3A = arith.extui %eq3A_635 : i1 to i32
    %cond3A = arith.constant 0 : i32
    %cond3A_636 = arith.cmpi ne, %convert_element_type3A, %cond3A : i32
    scf.if %cond3A_636 {
      %mul3A_637 = arith.constant 48 : i32
      %mul3A_638 = arith.muli %arg1, %mul3A_637 : i32
      "tpu.region"() ({
        %run_scoped3A = tpu.sem_alloc : memref<!tpu.dma_semaphore, #tpu.memory_space<semaphore_mem>>
        %dma_start3A_740 = tpu.memref_slice %arg15[%mul3A_638] : memref<768xf32, #tpu.memory_space<vmem_shared>> -> memref<192xf32, #tpu.memory_space<vmem_shared>>
        %dma_start3A_741 = tpu.memref_slice %arg15[%mul3A_638] : memref<768xf32, #tpu.memory_space<vmem_shared>> -> memref<192xf32, #tpu.memory_space<vmem_shared>>
        tpu.enqueue_dma source(%dma_start3A_741 : memref<192xf32, #tpu.memory_space<vmem_shared>>) target(%arg11 : memref<192xf32, #tpu.memory_space<vmem>>) target_semaphore(%run_scoped3A : memref<!tpu.dma_semaphore, #tpu.memory_space<semaphore_mem>>)
        %dma_wait3A_742 = tpu.memref_slice %arg15[%mul3A_638] : memref<768xf32, #tpu.memory_space<vmem_shared>> -> memref<192xf32, #tpu.memory_space<vmem_shared>>
        %dma_wait3A_743 = tpu.memref_slice %arg15[%mul3A_638] : memref<768xf32, #tpu.memory_space<vmem_shared>> -> memref<192xf32, #tpu.memory_space<vmem_shared>>
        tpu.wait_dma2 semaphore(%run_scoped3A : memref<!tpu.dma_semaphore, #tpu.memory_space<semaphore_mem>>) src(%dma_wait3A_743 : memref<192xf32, #tpu.memory_space<vmem_shared>>) dst(%arg11 : memref<192xf32, #tpu.memory_space<vmem>>)
        tpu.yield
      }) : () -> ()
      "tpu.region"() ({
        %run_scoped3A = tpu.sem_alloc : memref<!tpu.dma_semaphore, #tpu.memory_space<semaphore_mem>>
        tpu.enqueue_dma source(%arg5 : memref<16xf32, #tpu.memory_space<hbm>>) target(%arg12 : memref<16xf32, #tpu.memory_space<vmem>>) target_semaphore(%run_scoped3A : memref<!tpu.dma_semaphore, #tpu.memory_space<semaphore_mem>>)
        tpu.wait_dma2 semaphore(%run_scoped3A : memref<!tpu.dma_semaphore, #tpu.memory_space<semaphore_mem>>) src(%arg5 : memref<16xf32, #tpu.memory_space<hbm>>) dst(%arg12 : memref<16xf32, #tpu.memory_space<vmem>>)
        tpu.yield
      }) : () -> ()
      %get3A = arith.constant 0 : index
      %get3A_639 = tpu.vector_load %arg11[%get3A] {strides = array<i32>} : memref<192xf32, #tpu.memory_space<vmem>>, vector<16xf32>,
      %get3A_640 = arith.constant 48 : index
      %get3A_641 = tpu.vector_load %arg11[%get3A_640] {strides = array<i32>} : memref<192xf32, #tpu.memory_space<vmem>>, vector<16xf32>,
      %add3A_642 = arith.addf %get3A_639, %get3A_641 : vector<16xf32>
      %get3A_643 = arith.constant 96 : index
      %get3A_644 = tpu.vector_load %arg11[%get3A_643] {strides = array<i32>} : memref<192xf32, #tpu.memory_space<vmem>>, vector<16xf32>,
      %add3A_645 = arith.addf %add3A_642, %get3A_644 : vector<16xf32>
      %get3A_646 = arith.constant 144 : index
      %get3A_647 = tpu.vector_load %arg11[%get3A_646] {strides = array<i32>} : memref<192xf32, #tpu.memory_space<vmem>>, vector<16xf32>,
      %add3A_648 = arith.addf %add3A_645, %get3A_647 : vector<16xf32>
      %get3A_649 = arith.constant 16 : index
      %get3A_650 = tpu.vector_load %arg11[%get3A_649] {strides = array<i32>} : memref<192xf32, #tpu.memory_space<vmem>>, vector<16xf32>,
      %get3A_651 = arith.constant 64 : index
      %get3A_652 = tpu.vector_load %arg11[%get3A_651] {strides = array<i32>} : memref<192xf32, #tpu.memory_space<vmem>>, vector<16xf32>,
      %add3A_653 = arith.addf %get3A_650, %get3A_652 : vector<16xf32>
      %get3A_654 = arith.constant 112 : index
      %get3A_655 = tpu.vector_load %arg11[%get3A_654] {strides = array<i32>} : memref<192xf32, #tpu.memory_space<vmem>>, vector<16xf32>,
      %add3A_656 = arith.addf %add3A_653, %get3A_655 : vector<16xf32>
      %get3A_657 = arith.constant 160 : index
      %get3A_658 = tpu.vector_load %arg11[%get3A_657] {strides = array<i32>} : memref<192xf32, #tpu.memory_space<vmem>>, vector<16xf32>,
      %add3A_659 = arith.addf %add3A_656, %get3A_658 : vector<16xf32>
      %get3A_660 = arith.constant 32 : index
      %get3A_661 = tpu.vector_load %arg11[%get3A_660] {strides = array<i32>} : memref<192xf32, #tpu.memory_space<vmem>>, vector<16xf32>,
      %get3A_662 = arith.constant 80 : index
      %get3A_663 = tpu.vector_load %arg11[%get3A_662] {strides = array<i32>} : memref<192xf32, #tpu.memory_space<vmem>>, vector<16xf32>,
      %add3A_664 = arith.addf %get3A_661, %get3A_663 : vector<16xf32>
      %get3A_665 = arith.constant 128 : index
      %get3A_666 = tpu.vector_load %arg11[%get3A_665] {strides = array<i32>} : memref<192xf32, #tpu.memory_space<vmem>>, vector<16xf32>,
      %add3A_667 = arith.addf %add3A_664, %get3A_666 : vector<16xf32>
      %get3A_668 = arith.constant 176 : index
      %get3A_669 = tpu.vector_load %arg11[%get3A_668] {strides = array<i32>} : memref<192xf32, #tpu.memory_space<vmem>>, vector<16xf32>,
      %add3A_670 = arith.addf %add3A_667, %get3A_669 : vector<16xf32>
      %max3A = arith.constant 1.000000e+00 : f32
      %max3A_671 = vector.broadcast %max3A : f32 to vector<16xf32>
      %max3A_672 = arith.maximumf %add3A_670, %max3A_671 : vector<16xf32>
      %get3A_673 = arith.constant 0 : index
      %get3A_674 = tpu.vector_load %arg12[%get3A_673] {strides = array<i32>} : memref<16xf32, #tpu.memory_space<vmem>>, vector<16xf32>,
      %slice3A = vector.extract_strided_slice %get3A_674 {offsets = [0], sizes = [1], strides = [1]} : vector<16xf32> to vector<1xf32>
      %squeeze3A = vector.extract %slice3A[0] : f32 from vector<1xf32>
      %slice3A_675 = vector.extract_strided_slice %get3A_674 {offsets = [1], sizes = [1], strides = [1]} : vector<16xf32> to vector<1xf32>
      %squeeze3A_676 = vector.extract %slice3A_675[0] : f32 from vector<1xf32>
      %div3A_677 = arith.divf %add3A_648, %max3A_672 : vector<16xf32>
      %add3A_678 = vector.broadcast %squeeze3A : f32 to vector<16xf32>
      %add3A_679 = arith.addf %div3A_677, %add3A_678 : vector<16xf32>
      %div3A_680 = arith.divf %add3A_659, %max3A_672 : vector<16xf32>
      %add3A_681 = vector.broadcast %squeeze3A_676 : f32 to vector<16xf32>
      %add3A_682 = arith.addf %div3A_680, %add3A_681 : vector<16xf32>
      %max3A_683 = arith.maximumf %add3A_679, %add3A_682 : vector<16xf32>
      %sub3A_684 = arith.subf %add3A_679, %max3A_683 : vector<16xf32>
      %exp3A = math.exp %sub3A_684 : vector<16xf32>
      %sub3A_685 = arith.subf %add3A_682, %max3A_683 : vector<16xf32>
      %exp3A_686 = math.exp %sub3A_685 : vector<16xf32>
      %add3A_687 = arith.addf %exp3A, %exp3A_686 : vector<16xf32>
      %div3A_688 = arith.divf %exp3A, %add3A_687 : vector<16xf32>
      %sub3A_689 = arith.constant 1.000000e+00 : f32
      %sub3A_690 = vector.broadcast %sub3A_689 : f32 to vector<16xf32>
      %sub3A_691 = arith.subf %sub3A_690, %div3A_688 : vector<16xf32>
      %reduce_max3A = arith.constant true
      %reduce_max3A_692 = vector.broadcast %reduce_max3A : i1 to vector<16xi1>
      %reduce_max3A_693 = tpu.scan <max>, %sub3A_691 masked %reduce_max3A_692 : vector<16xf32>, vector<16xi1> -> vector<16xf32>
      %reduce_max3A_694 = vector.extract %reduce_max3A_693[15] : f32 from vector<16xf32>
      %reduce_min3A = arith.constant true
      %reduce_min3A_695 = vector.broadcast %reduce_min3A : i1 to vector<16xi1>
      %reduce_min3A_696 = tpu.scan <min>, %sub3A_691 masked %reduce_min3A_695 : vector<16xf32>, vector<16xi1> -> vector<16xf32>
      %reduce_min3A_697 = vector.extract %reduce_min3A_696[15] : f32 from vector<16xf32>
      %eq3A_698 = vector.broadcast %reduce_max3A_694 : f32 to vector<16xf32>
      %eq3A_699 = arith.cmpf oeq, %sub3A_691, %eq3A_698 : vector<16xf32>
      %all_reduce_ffs3A = tpu.all_reduce %eq3A_699 {dim = 0 : i64, kind = #tpu.reduction_kind<find_first_set>} : vector<16xi1> -> vector<16xi32>
      %eq3A_700 = vector.broadcast %reduce_min3A_697 : f32 to vector<16xf32>
      %eq3A_701 = arith.cmpf oeq, %sub3A_691, %eq3A_700 : vector<16xf32>
      %all_reduce_ffs3A_702 = tpu.all_reduce %eq3A_701 {dim = 0 : i64, kind = #tpu.reduction_kind<find_first_set>} : vector<16xi1> -> vector<16xi32>
      %lt3A_703 = arith.constant 8.000000e-01 : f32
      %lt3A_704 = arith.cmpf olt, %reduce_max3A_694, %lt3A_703 : f32
      %select_n3A_705 = arith.select %lt3A_704, %all_reduce_ffs3A_702, %all_reduce_ffs3A : vector<16xi32>
      %eq3A_706 = arith.cmpi eq, %iota3A, %select_n3A_705 : vector<16xi32>
      %jit3A_707 = arith.constant 0.000000e+00 : f32
      %broadcast_in_dim3A_708 = vector.broadcast %jit3A_707 : f32 to vector<16xf32>
      %select_n3A_709 = arith.select %eq3A_706, %add3A_679, %broadcast_in_dim3A_708 : vector<16xi1>, vector<16xf32>
      %reduce_sum3A_710 = arith.constant true
      %reduce_sum3A_711 = vector.broadcast %reduce_sum3A_710 : i1 to vector<16xi1>
      %reduce_sum3A_712 = tpu.scan <sum>, %select_n3A_709 masked %reduce_sum3A_711 : vector<16xf32>, vector<16xi1> -> vector<16xf32>
      %reduce_sum3A_713 = vector.extract %reduce_sum3A_712[15] : f32 from vector<16xf32>
      %jit3A_714 = arith.constant 0.000000e+00 : f32
      %broadcast_in_dim3A_715 = vector.broadcast %jit3A_714 : f32 to vector<16xf32>
      %select_n3A_716 = arith.select %eq3A_706, %add3A_682, %broadcast_in_dim3A_715 : vector<16xi1>, vector<16xf32>
      %reduce_sum3A_717 = arith.constant true
      %reduce_sum3A_718 = vector.broadcast %reduce_sum3A_717 : i1 to vector<16xi1>
      %reduce_sum3A_719 = tpu.scan <sum>, %select_n3A_716 masked %reduce_sum3A_718 : vector<16xf32>, vector<16xi1> -> vector<16xf32>
      %reduce_sum3A_720 = vector.extract %reduce_sum3A_719[15] : f32 from vector<16xf32>
      %eq3A_721 = arith.constant 0 : i32
      %eq3A_722 = vector.broadcast %eq3A_721 : i32 to vector<16xi32>
      %eq3A_723 = arith.cmpi eq, %iota3A, %eq3A_722 : vector<16xi32>
      %jit3A_724 = arith.constant 0.000000e+00 : f32
      %broadcast_in_dim3A_725 = vector.broadcast %reduce_sum3A_713 : f32 to vector<16xf32>
      %broadcast_in_dim3A_726 = vector.broadcast %jit3A_724 : f32 to vector<16xf32>
      %select_n3A_727 = arith.select %eq3A_723, %broadcast_in_dim3A_725, %broadcast_in_dim3A_726 : vector<16xi1>, vector<16xf32>
      %eq3A_728 = arith.constant 1 : i32
      %eq3A_729 = vector.broadcast %eq3A_728 : i32 to vector<16xi32>
      %eq3A_730 = arith.cmpi eq, %iota3A, %eq3A_729 : vector<16xi32>
      %jit3A_731 = arith.constant 0.000000e+00 : f32
      %broadcast_in_dim3A_732 = vector.broadcast %reduce_sum3A_720 : f32 to vector<16xf32>
      %broadcast_in_dim3A_733 = vector.broadcast %jit3A_731 : f32 to vector<16xf32>
      %select_n3A_734 = arith.select %eq3A_730, %broadcast_in_dim3A_732, %broadcast_in_dim3A_733 : vector<16xi1>, vector<16xf32>
      %add3A_735 = arith.addf %select_n3A_727, %select_n3A_734 : vector<16xf32>
      %swap3A_736 = arith.constant 0 : index
      %swap3A_737 = tpu.vector_load %arg13[%swap3A_736] {strides = array<i32>} : memref<16xf32, #tpu.memory_space<vmem>>, vector<16xf32>,
      tpu.vector_store %arg13[%swap3A_736], %add3A_735 {strides = array<i32>} : memref<16xf32, #tpu.memory_space<vmem>>, vector<16xf32>,
      %mul3A_738 = arith.constant 16 : i32
      %mul3A_739 = arith.muli %add3A, %mul3A_738 : i32
      "tpu.region"() ({
        %run_scoped3A = tpu.sem_alloc : memref<!tpu.dma_semaphore, #tpu.memory_space<semaphore_mem>>
        %dma_start3A_740 = tpu.memref_slice %arg6[%mul3A_739] : memref<128xf32, #tpu.memory_space<hbm>> -> memref<16xf32, #tpu.memory_space<hbm>>
        %dma_start3A_741 = tpu.memref_slice %arg6[%mul3A_739] : memref<128xf32, #tpu.memory_space<hbm>> -> memref<16xf32, #tpu.memory_space<hbm>>
        tpu.enqueue_dma source(%arg13 : memref<16xf32, #tpu.memory_space<vmem>>) target(%dma_start3A_741 : memref<16xf32, #tpu.memory_space<hbm>>) target_semaphore(%run_scoped3A : memref<!tpu.dma_semaphore, #tpu.memory_space<semaphore_mem>>)
        %dma_wait3A_742 = tpu.memref_slice %arg6[%mul3A_739] : memref<128xf32, #tpu.memory_space<hbm>> -> memref<16xf32, #tpu.memory_space<hbm>>
        %dma_wait3A_743 = tpu.memref_slice %arg6[%mul3A_739] : memref<128xf32, #tpu.memory_space<hbm>> -> memref<16xf32, #tpu.memory_space<hbm>>
        tpu.wait_dma2 semaphore(%run_scoped3A : memref<!tpu.dma_semaphore, #tpu.memory_space<semaphore_mem>>) src(%arg13 : memref<16xf32, #tpu.memory_space<vmem>>) dst(%dma_wait3A_743 : memref<16xf32, #tpu.memory_space<hbm>>)
        tpu.yield
      }) : () -> ()
    } else {
    }
    return
  }
}

module attributes {stable_mosaic.version = 14 : i64} {
  func.func @_proj_body(%arg0: i32, %arg1: memref<2x768xf32, #tpu.memory_space<vmem>>, %arg2: memref<4096x768xf32, #tpu.memory_space<vmem>>, %arg3: memref<1x4096xf32, #tpu.memory_space<vmem>>, %arg4: memref<1x4096xf32, #tpu.memory_space<vmem>>) attributes {dimension_semantics = [#tpu.dimension_semantics<arbitrary>], iteration_bounds = array<i64: 8>, scalar_prefetch = 0 : i64, scratch_operands = 0 : i64, tpu.core_type = #tpu.core_type<tc>, window_params = [{pipeline_mode = #tpu.pipeline_mode<synchronous>, transform_indices = @transform_0, window_bounds = array<i64: 2, 768>}, {transform_indices = @transform_1, window_bounds = array<i64: 4096, 768>}, {transform_indices = @transform_2, window_bounds = array<i64: 1, 4096>}, {transform_indices = @transform_3, window_bounds = array<i64: 1, 4096>}]} {
    %get3A = arith.constant 0 : index
    %get3A_0 = arith.constant 0 : index
    %get3A_1 = vector.load %arg1[%get3A, %get3A_0] : memref<2x768xf32, #tpu.memory_space<vmem>>, vector<2x768xf32>
    %get3A_2 = arith.constant 0 : index
    %get3A_3 = arith.constant 0 : index
    %get3A_4 = vector.load %arg2[%get3A_2, %get3A_3] : memref<4096x768xf32, #tpu.memory_space<vmem>>, vector<4096x768xf32>
    %dot_general3A = arith.constant dense<0.000000e+00> : vector<2x4096xf32>
    %dot_general3A_5 = tpu.matmul %get3A_1, %get3A_4, %dot_general3A {dimension_numbers = #tpu.dot_dimension_numbers<[1], [1], [0], [0], [0, 0, 1, 0], [], []>, transpose_lhs_hint = false} : vector<2x768xf32>, vector<4096x768xf32>, vector<2x4096xf32> -> vector<2x4096xf32>
    %slice3A = vector.extract_strided_slice %dot_general3A_5 {offsets = [0, 0], sizes = [1, 4096], strides = [1, 1]} : vector<2x4096xf32> to vector<1x4096xf32>
    %swap3A = arith.constant 0 : index
    %swap3A_6 = arith.constant 0 : index
    %swap3A_7 = vector.load %arg3[%swap3A, %swap3A_6] : memref<1x4096xf32, #tpu.memory_space<vmem>>, vector<1x4096xf32>
    tpu.vector_store %arg3[%swap3A, %swap3A_6], %slice3A {strides = array<i32>} : memref<1x4096xf32, #tpu.memory_space<vmem>>, vector<1x4096xf32>,
    %slice3A_8 = vector.extract_strided_slice %dot_general3A_5 {offsets = [1, 0], sizes = [1, 4096], strides = [1, 1]} : vector<2x4096xf32> to vector<1x4096xf32>
    %swap3A_9 = arith.constant 0 : index
    %swap3A_10 = arith.constant 0 : index
    %swap3A_11 = vector.load %arg4[%swap3A_9, %swap3A_10] : memref<1x4096xf32, #tpu.memory_space<vmem>>, vector<1x4096xf32>
    tpu.vector_store %arg4[%swap3A_9, %swap3A_10], %slice3A_8 {strides = array<i32>} : memref<1x4096xf32, #tpu.memory_space<vmem>>, vector<1x4096xf32>,
    return
  }
  func.func @transform_0(%arg0: i32) -> (i32, i32) {
    %c0_i32 = arith.constant 0 : i32
    %c0_i32_0 = arith.constant 0 : i32
    %c0_i32_1 = arith.constant 0 : i32
    return %c0_i32, %c0_i32_0 : i32, i32
  }
  func.func @transform_1(%arg0: i32) -> (i32, i32) {
    %c0_i32 = arith.constant 0 : i32
    %c0_i32_0 = arith.constant 0 : i32
    return %arg0, %c0_i32 : i32, i32
  }
  func.func @transform_2(%arg0: i32) -> (i32, i32) {
    %c0_i32 = arith.constant 0 : i32
    %c0_i32_0 = arith.constant 0 : i32
    return %c0_i32, %arg0 : i32, i32
  }
  func.func @transform_3(%arg0: i32) -> (i32, i32) {
    %c0_i32 = arith.constant 0 : i32
    %c0_i32_0 = arith.constant 0 : i32
    return %c0_i32, %arg0 : i32, i32
  }
}

</mosaic_0001>

<sc_bundles>
// kernel: kernel.4.cloned.1.call-start
scs
__scs_entry_jumppad:
0x0: {  	(pc) =	sbr.rel $0x88, $3  }
0x1: {  	(tag) =	ssettag $0x0;
	lr =	simm.s32 $0x1  }
0x2: {  	[smem:$0x3F9D] =	sst lr;
	_ =	strace $0xD0000000  }
0x3: {  	_ = 	snop  }
0x4: {  	_ = 	snop  }
0x5: {  	_ = 	snop  }
0x6: {  	_ = 	snop  }
0x7: {  	_ = 	snop  }
__scs_overlays_trampoline_lowered:
0x8: {  	[smem:$0x3FAC] =	sst s0  }
0x9: {  	[smem:$0x3FAD] =	sst s1  }
0xa: {  	[smem:$0x3FAE] =	sst s2  }
0xb: {  	[smem:$0x3FAF] =	sst s3  }
0xc: {  	[smem:$0x3FB0] =	sst s4  }
0xd: {  	[smem:$0x3FB1] =	sst s5  }
0xe: {  	[smem:$0x3FB2] =	sst s6  }
0xf: {  	[smem:$0x3FB3] =	sst s7  }
0x10: {  	[smem:$0x3FB4] =	sst s8  }
0x11: {  	[smem:$0x3FB5] =	sst s9;
	s0 =	simm.s32 @!p0 $0x0  }
0x12: {  	s1 =	sld [smem:$0x3F9B];
	s0 =	simm.s32 @p0 $0x1  }
0x13: {  	[smem:$0x3FB6] =	sst s0;
	s0 =	simm.s32 @!p1 $0x0  }
0x14: {  	s2 =	sld [smem:$0x3F9A];
	s0 =	simm.s32 @p1 $0x1  }
0x15: {  	[smem:$0x3FB7] =	sst s0;
	s0 =	simm.s32 @!p2 $0x0  }
0x16: {  	s3 =	sld [smem:$0x3FDB];
	s0 =	simm.s32 @p2 $0x1  }
0x17: {  	s4 =	simm.s32 $0x1BF5;
	[smem:$0x3FB9] =	sst s0  }
0x18: {  	s0 =	sld [smem:$0x3F9C];
	_ =	swait.ge [sflag:s4], $0x0  }
0x19: {  	s7 =	sld [smem:$0x3F9D]  }
0x1a: {  	s8 =	sadd.s32 $0xFFFFE003, lr  }
0x1b: {  	s9 =	sadd.s32 $0xFFFFFEF7, lr;
	s5 =	simm.s32 $0xFFFFFFFF;
	p2 =	slt.u32 s8, $0xFFFFF086  }
0x1c: {  	p1 =	slt.u32 s9, $0xF7A;
	s5 =	simm.s32 @!p2 $0x0  }
0x1d: {  	s5 =	simm.s32 @p1 $0x1;
	p0 =	seq.s32 s7, s2  }
0x1e: {  	s7 =	smul.u32 @!p0 $0xF7A, s2;
	p2 =	seq.s32 @!p0 s5, $0x0  }
0x1f: {  	s9 =	smul.u32 $0xF7A, s1;
	s8 =	simm.s32 @!p0 $0x1BF5;
	p2 =	por !p2, p0  }
0x20: {  	[sflag:s8] =	ssyncset.s32 @!p0 $0xFFFFF086;
	s6 =	sadd.s32 @!p0 s3, s7;
	s7 =	simm.s32 @!p0 $0x108  }
0x21: {  	s3 =	sadd.s32 s3, s9;
	s6 =	sadd.s32 @!p0 $0x88, s6;
	s7 =	simm.s32 @p2 $0x1082  }
0x22: {  	[simem:s7], [sflag:s8] =	dma.local @!p0 [hbm:s6], $0xF7A  }
0x23: {  	s9 =	sor.u32 $0xD0000000, s2;
	s6 =	simm.s32 $0x108;
	_ =	swait.ge @!p0 [sflag:s8], $0x0  }
0x24: {  	s3 =	sadd.s32 $0x88, s3;
	s6 =	simm.s32 @!p1 $0x1082;
	[sflag:s4] =	ssyncset.s32 $0xFFFFF086  }
0x25: {  	[simem:s6], [sflag:s4] =	dma.local [hbm:s3], $0xF7A  }
0x26: {  	[smem:$0x3F9D] =	sst s1;
	(tag) =	ssettag s2;
	_ =	strace s9  }
0x27: {  	s1 =	sld [smem:$0x3FAD]  }
0x28: {  	s2 =	sld [smem:$0x3FAE]  }
0x29: {  	s4 =	sld [smem:$0x3FB0]  }
0x2a: {  	p0 =	seq.s32 s5, $0x0;
	s5 =	sld [smem:$0x3FB1]  }
0x2b: {  	s6 =	sld [smem:$0x3FB2]  }
0x2c: {  	s7 =	sld [smem:$0x3FB3]  }
0x2d: {  	s3 =	simm.s32 $0x108;
	s8 =	sld [smem:$0x3FB4]  }
0x2e: {  	s3 =	simm.s32 @!p0 $0x1082;
	s9 =	sld [smem:$0x3FB5]  }
0x2f: {  	lr =	sadd.s32 s0, s3;
	s0 =	sld [smem:$0x3FAC]  }
0x30: {  	s3 =	sld [smem:$0x3FAF]  }
0x31: {  	[smem:$0x3FB8] =	sst s10  }
0x32: {  	s10 =	sld [smem:$0x3FB6];
	_ =	sdelay $0x3  }
0x33: {  	p0 =	seq.s32 s10, $0x1;
	s10 =	sld [smem:$0x3FB8];
	_ =	sdelay $0x3  }
0x34: {  	[smem:$0x3FB8] =	sst s10  }
0x35: {  	s10 =	sld [smem:$0x3FB7];
	_ =	sdelay $0x3  }
0x36: {  	p1 =	seq.s32 s10, $0x1;
	s10 =	sld [smem:$0x3FB8];
	_ =	sdelay $0x3  }
0x37: {  	[smem:$0x3FB8] =	sst s10  }
0x38: {  	s10 =	sld [smem:$0x3FB9]  }
0x39: {  	_ = 	snop;
	(pc) =	sbr.ind lr, $3  }
0x3a: {  	_ = 	snop  }
0x3b: {  	_ = 	snop  }
0x3c: {  	p2 =	seq.s32 s10, $0x1;
	s10 =	sld [smem:$0x3FB8]  }
0x3d: {  	_ =	shalt  }
0x3e: {  	_ =	shalt  }
0x3f: {  	_ =	shalt  }
0x40: {  	_ =	shalt  }
0x41: {  	_ =	shalt  }
0x42: {  	_ =	shalt  }
0x43: {  	_ =	shalt  }
0x44: {  	_ =	shalt  }
0x45: {  	_ =	shalt  }
0x46: {  	_ =	shalt  }
0x47: {  	_ =	shalt  }
0x48: {  	_ =	shalt  }
0x49: {  	_ =	shalt  }
0x4a: {  	_ =	shalt  }
0x4b: {  	_ =	shalt  }
0x4c: {  	_ =	shalt  }
0x4d: {  	_ =	shalt  }
0x4e: {  	_ =	shalt  }
0x4f: {  	_ =	shalt  }
0x50: {  	_ =	shalt  }
0x51: {  	_ =	shalt  }
0x52: {  	_ =	shalt  }
0x53: {  	_ =	shalt  }
0x54: {  	_ =	shalt  }
0x55: {  	_ =	shalt  }
0x56: {  	_ =	shalt  }
0x57: {  	_ =	shalt  }
0x58: {  	_ =	shalt  }
0x59: {  	_ =	shalt  }
0x5a: {  	_ =	shalt  }
0x5b: {  	_ =	shalt  }
0x5c: {  	_ =	shalt  }
0x5d: {  	_ =	shalt  }
0x5e: {  	_ =	shalt  }
0x5f: {  	_ =	shalt  }
0x60: {  	_ =	shalt  }
0x61: {  	_ =	shalt  }
0x62: {  	_ =	shalt  }
0x63: {  	_ =	shalt  }
0x64: {  	_ =	shalt  }
0x65: {  	_ =	shalt  }
0x66: {  	_ =	shalt  }
0x67: {  	_ =	shalt  }
0x68: {  	_ =	shalt  }
0x69: {  	_ =	shalt  }
0x6a: {  	_ =	shalt  }
0x6b: {  	_ =	shalt  }
0x6c: {  	_ =	shalt  }
0x6d: {  	_ =	shalt  }
0x6e: {  	_ =	shalt  }
0x6f: {  	_ =	shalt  }
0x70: {  	_ =	shalt  }
0x71: {  	_ =	shalt  }
0x72: {  	_ =	shalt  }
0x73: {  	_ =	shalt  }
0x74: {  	_ =	shalt  }
0x75: {  	_ =	shalt  }
0x76: {  	_ =	shalt  }
0x77: {  	_ =	shalt  }
0x78: {  	_ =	shalt  }
0x79: {  	_ =	shalt  }
0x7a: {  	_ =	shalt  }
0x7b: {  	_ =	shalt  }
0x7c: {  	_ =	shalt  }
0x7d: {  	_ =	shalt  }
0x7e: {  	_ =	shalt  }
0x7f: {  	_ =	shalt  }
0x80: {  	_ =	shalt  }
0x81: {  	_ =	shalt  }
0x82: {  	_ =	shalt  }
0x83: {  	_ =	shalt  }
0x84: {  	_ =	shalt  }
0x85: {  	_ =	shalt  }
0x86: {  	_ =	shalt  }
0x87: {  	_ =	shalt  }
.Lfunc_end0:
.L_simem_size_0:
called_computation_lowered:
.L_overlay_start_0:
0x88: {  	s2 =	sld [smem:$0x3FD9]  }
0x89: {  	s3 =	sld [smem:$0x3FFE];
	_ =	sdelay $0x1  }
0x8a: {  	s1 =	srdreg.scid  }
0x8b: {  	s0 =	sand.u32 $0x1, s1  }
0x8c: {  	s17 =	sshll.u32 s0, $0xA;
	s2 =	sadd.s32 s3, s2  }
0x8d: {  	s2 =	sadd.s32 s2, s17  }
0x8e: {  	[smem:$0x3FC4] =	sst s2  }
0x8f: {  	_ = 	snop  }
0x90: {  	s2 =	sld [smem:$0x3FD0];
	(tm) =	ssettm $0x1  }
0x91: {  	s18 =	sld [smem:$0x3FFB];
	_ =	sdelay $0x3  }
0x92: {  	_ =	strace s18  }
0x93: {  	s3 =	sld [smem:$0x3FFC];
	_ =	sdelay $0x3  }
0x94: {  	_ =	strace s3  }
0x95: {  	s3 =	sld [smem:$0x3FFD];
	_ =	sdelay $0x3  }
0x96: {  	_ =	strace s3  }
0x97: {  	_ =	strace $0x8FFFFFFF  }
0x98: {  	s19 =	sld [smem:$0x3FDB];
	_ =	sdelay $0x1  }
0x99: {  	s4 =	simm.s32 $_scs_section_size  }
0x9a: {  	s5 =	simm.s32 $_size__tile_overlayer_lowered;
	s6 =	simm.s32 $_tile_overlayer_lowered  }
0x9b: {  	s22 =	simm.s32 $0x1BFF;
	s21 =	sshll.u32 s6, $0x1;
	s3 =	sadd.s32 s4, s19  }
0x9c: {  	s7 =	simm.s32 $0x0;
	s20 =	sshll.u32 s5, $0x1;
	s5 =	sadd.s32 s21, s3  }
0x9d: {  	[timem:s7], [sflag:s22] =	dma.local [hbm:s5], s20  }
0x9e: {  	_ =	swait.ge [sflag:s22], s20  }
0x9f: {  	s4 =	ssub.s32 $0x0, s20;
	[sflag:s22] =	ssyncset.done $0x0  }
0xa0: {  	[sflag:s22] =	ssyncadd.s32 s4;
	_ =	sdelay $0x1  }
0xa1: {  	s23 =	simm.s32 $0x1B8B  }
0xa2: {  	_ =	swait.ge [sflag:s23], $0x1  }
0xa3: {  	[sflag:s23] =	ssyncset.done $0x0  }
0xa4: {  	s25 =	simm.s32 $0x1B8E;
	s24 =	sld [smem:$0x3FFE];
	[sflag:s23] =	ssyncadd.s32 $0xFFFFFFFF  }
0xa5: {  	s26 =	simm.s32 $execute0_lowered;
	[smem:$0x3FD2] =	sst s25  }
0xa6: {  	s5 =	sshll.u32 s26, $0x1;
	_ =	strace $0x80000046;
	[dreg:$0x1] =	wrdreg $0xFFFFFFFF  }
0xa7: {  	s28 =	simm.s32 $_size_execute0_lowered;
	s3 =	sadd.s32 s3, s5;
	[dreg:$0x0] =	wrdreg $0x0  }
0xa8: {  	s5 =	sshll.u32 s28, $0x1;
	[dreg:$0x2] =	wrdreg s3  }
0xa9: {  	[dreg:$0x3] =	wrdreg s5  }
0xaa: {  	[dreg:$0x4] =	wrdreg $0xC0  }
0xab: {  	_ =	task [dreg:s7], $0x5FFFF  }
0xac: {  	[dreg:$0x1] =	wrdreg $0xFFFFFFFF  }
0xad: {  	[dreg:$0x0] =	wrdreg $0x60  }
0xae: {  	[dreg:$0x2] =	wrdreg s24  }
0xaf: {  	[dreg:$0x3] =	wrdreg s2  }
0xb0: {  	[dreg:$0x4] =	wrdreg $0xE800  }
0xb1: {  	[dreg:$0x5] =	wrdreg $0x9  }
0xb2: {  	_ =	task.clear_ibuf [dreg:s7], $0x6FFFF;
	_ =	strace $0x90000046  }
0xb3: {  	s29 =	simm.s32 $0x9;
	_ =	strace $0x80000048  }
0xb4: {  	_ =	swait.ge [sflag:s29], $0x1  }
0xb5: {  	[sflag:s29] =	ssyncadd.s32 $0xFFFFFFFF  }
0xb6: {  	_ =	strace $0x90000048  }
0xb7: {  	_ =	sfence  }
0xb8: {  	s30 =	sld [smem:$0x0];
	_ =	sdelay $0x2  }
0xb9: {  	s31 =	sshll.u32 s1, $0xD;
	s1 =	sshrl.u32 s1, $0x2  }
0xba: {  	s3 =	sand.u32 $0x4000, s31;
	s1 =	sadd.s32 s1, s30  }
0xbb: {  	s0 =	sor.u32 s3, s0;
	s1 =	sshll.u32 s1, $0x11  }
0xbc: {  	s0 =	sor.u32 s1, s0  }
0xbd: {  	s0 =	sadd.s32 $0x8F2B, s0  }
0xbe: {  	[sflag:s0] =	ssyncadd.remote.s32 $0x1  }
0xbf: {  	_ =	sfence.sel $0xFFFF  }
0xc0: {  	[dreg:$0x0] =	wrdreg $0xFFFFFFFF;
	(pc) =	sbr.abs _section_cstart, $3  }
0xc1: {  	[dreg:$0x1] =	wrdreg $0xFFFFFFFF  }
0xc2: {  	_ =	task.clear_ibuf [dreg:s7], $0x2FFFF;
	_ =	strace $0x9FFFFFFF  }
0xc3: {  	(tm) =	ssettm $0x7FFFFFFF  }
tec
execute0_lowered:
.L_overlay_start_1:
0x0: {  	(tag) =	ssettag $0x1  }
0x1: {  	s4 =	rddreg [dreg:$0x0]  }
0x2: {  	s2 =	rddreg [dreg:$0x1];
	s0 =	srdreg.scid  }
0x3: {  	s7 =	rddreg [dreg:$0x2];
	s1 =	stileid.u32;
	s3 =	simm.s32 $0x0  }
0x4: {  	s12 =	simm.s32 $0x1;
	s14 =	simm.s32 $0x2;
	s15 =	simm.s32 $0xC80  }
0x5: {  	s16 =	simm.s32 $0xD80;
	s17 =	simm.s32 $0xE00;
	s18 =	simm.s32 $0x0  }
0x6: {  	s5 =	sand.u32 $0x1, s0;
	s0 =	rddreg [dreg:$0x3];
	s8 =	sshrl.u32 s1, $0x2  }
0x7: {  	s13 =	sand.u32 $0x3, s1;
	[smem:$0x7FF] =	sst s3;
	s30 =	smul.u32 $0xC0, s1  }
0x8: {  	s6 =	sshll.u32 s5, $0x2;
	s9 =	sshll.u32 s13, $0x7;
	_ =	strace $0x80000047  }
0x9: {  	s5 =	ssub.s32 $0x2, s5;
	p0 =	sne.s32 s13, $0x0;
	s6 =	sor.u32 s8, s6  }
0xa: {  	s13 =	simm.s32 $0xC00;
	s31 =	sshrl.u32 s5, $0x1;
	s8 =	sshll.u32 s6, $0x9  }
.Ltmp0:
0xb: {  	s6 =	sshll.u32 s6, $0x1;
	s11 =	ssub.s32 s5, s31;
	(pc) =	sbr.rel .LBB2_1-.Ltmp0, $4  }
0xc: {  	s8 =	sor.u32 s9, s8;
	s10 =	sadd.s32 s6, s4;
	s9 =	sshrl.u32 s30, $0x2  }
0xd: {  	s8 =	sadd.s32 s8, s4;
	s7 =	sadd.s32 s9, s7;
	s9 =	smax.u32 s11, $0x1  }
0xe: {  	v61 =	vimm.f32 $0.0e+00;
	s11 =	simm.s32 $0x800;
	s4 =	sadd.s32 $0xC00, s8;
	s5 =	sadd.s32 $0x1C00, s8  }
0xf: {  	vm0 =	vmmov $0x1;
	vm1 =	vcmask $0x704;
	vm15 =	vmmov $0x7fff;
	s6 =	sadd.s32 $0x2C00, s8;
	s8 =	sadd.s32 $0x3C00, s10;
	s10 =	simm.s32 $0x400  }
.LBB2_5:
0x10: {  	s18 =	sadd.s32 $0x1, s18  }
0x11: {  	p1 =	sne.s32 s18, s9  }
.Ltmp1:
0x12: {  	_ = 	snop;
	(pc) =	sbr.rel @!p1 .LBB2_6-.Ltmp1, $1  }
0x13: {  	_ =	sdelay $0x3  }
.LBB2_1:
0x14: {  	[tilespmem:s3], [sflag:$0x1] =	stream.linear.gather [hbm4b:s4+s3], $0x400, $0x38;
	[tilespmem:$0xEB0] =	vst v63  }
0x15: {  	_ = 	snop  }
0x16: {  	[tilespmem:s10], [sflag:$0x1] =	stream.linear.gather [hbm4b:s5+s3], $0x400, $0x38;
	[tilespmem:$0xEB0] =	vst v63  }
0x17: {  	_ = 	snop  }
0x18: {  	[tilespmem:s11], [sflag:$0x1] =	stream.linear.gather [hbm4b:s6+s3], $0x400, $0x38;
	[tilespmem:$0xEB0] =	vst v63  }
0x19: {  	_ =	swait.ge [sflag:s12], $0x400  }
0x1a: {  	[sflag:s12] =	ssyncset.done $0x0  }
0x1b: {  	[sflag:s12] =	ssyncadd.s32 $0xFFFFFC00  }
0x1c: {  	_ =	swait.ge [sflag:s12], $0x400  }
0x1d: {  	[sflag:s12] =	ssyncset.done $0x0  }
0x1e: {  	[sflag:s12] =	ssyncadd.s32 $0xFFFFFC00  }
0x1f: {  	_ =	swait.ge [sflag:s12], $0x400  }
0x20: {  	[sflag:s12] =	ssyncset.done $0x0  }
0x21: {  	s19 =	simm.s32 $0x0;
	[sflag:s12] =	ssyncadd.s32 $0xFFFFFC00  }
0x22: {  	v6 =	vld [tilespmem:s19+$0x0];
	_ =	sdelay $0x3  }
0x23: {  	v19 =	vld [tilespmem:s19+$0x800]  }
0x24: {  	v15 =	vld [tilespmem:s19+$0x400];
	vm2 =	veq.s32 v6, $0x0;
	vm5 =	veq.s32 v6, $0x1;
	vm4 =	veq.s32 v6, $0xF  }
0x25: {  	vm9 =	veq.s32 v6, $0x3;
	vm8 =	veq.s32 v6, $0x4;
	vm7 =	veq.s32 v6, $0x6  }
0x26: {  	vm6 =	veq.s32 v6, $0x7;
	vm10 =	veq.s32 v6, $0xA;
	vm3 =	veq.s32 v6, $0x5  }
0x27: {  	vm12 =	veq.s32 v6, $0xC;
	vm13 =	veq.s32 v6, $0xD;
	vm14 =	veq.s32 v6, $0xE  }
0x28: {  	vm11 =	veq.s32 v6, $0xB;
	v2 =	vsel vm5, $0x3F800000, v61;
	v47 =	vnsel vm5, $0x0, v19  }
0x29: {  	v4 =	vnsel vm9, $0x0, v15;
	v3 =	vnsel vm9, $0x0, v19;
	v5 =	vnsel vm6, $0x0, v19  }
0x2a: {  	v63 =	vsel vm6, $0x3F800000, v61;
	v48 =	vsel vm2, $0x3F800000, v61;
	v11 =	vsel vm8, $0x3F800000, v61  }
0x2b: {  	v12 =	vnsel vm7, $0x0, v19;
	v49 =	vnsel vm13, $0x0, v15;
	v9 =	vsel vm3, $0x3F800000, v61  }
0x2c: {  	v50 =	vsel vm13, $0x3F800000, v61;
	v0 =	vnsel vm12, $0x0, v19;
	v51 =	vnsel vm4, $0x0, v15  }
0x2d: {  	v14 =	vnsel vm2, $0x0, v15;
	v18 =	vsel vm12, $0x3F800000, v61;
	v52 =	vnsel vm3, $0x0, v15  }
0x2e: {  	v20 =	vnsel vm4, $0x0, v19;
	v13 =	vsel vm4, $0x3F800000, v61;
	v53 =	vnsel vm13, $0x0, v19  }
0x2f: {  	v21 =	vnsel vm14, $0x0, v15;
	v31 =	vsel vm14, $0x3F800000, v61;
	vm4 =	veq.s32 v6, $0x9  }
0x30: {  	v23 =	vnsel vm10, $0x0, v15;
	v25 =	vnsel vm14, $0x0, v19;
	v26 =	vnsel vm10, $0x0, v19  }
0x31: {  	v55 =	vsel vm10, $0x3F800000, v61;
	v33 =	vnsel vm12, $0x0, v15;
	v57 =	vnsel vm11, $0x0, v15  }
0x32: {  	v36 =	vnsel vm11, $0x0, v19;
	v8 =	vadd.f32 v2, v61;
	v16 =	vadd.f32 v47, v61  }
0x33: {  	v58 =	vsel vm11, $0x3F800000, v61;
	v10 =	vadd.f32 v48, v61;
	v17 =	vadd.f32 v3, v61  }
0x34: {  	v38 =	vnsel vm5, $0x0, v15;
	v28 =	vadd.f32 v49, v61;
	v62 =	vadd.f32 v50, v61  }
0x35: {  	vm10 =	veq.s32 v6, $0x2;
	v34 =	vadd.f32 v4, v61;
	v35 =	vadd.f32 v52, v61  }
0x36: {  	vm5 =	veq.s32 v6, $0x8;
	v29 =	vadd.f32 v51, v61;
	v9 =	vadd.f32 v9, v61  }
0x37: {  	v40 =	vsel vm9, $0x3F800000, v61;
	v54 =	vadd.f32 v13, v61;
	v22 =	vadd.f32 v5, v61  }
0x38: {  	v42 =	vnsel vm8, $0x0, v15;
	v13 =	vadd.f32 v53, v61;
	v56 =	vadd.f32 v55, v61  }
0x39: {  	v24 =	vnsel vm4, $0x0, v19;
	v37 =	vadd.f32 v57, v61;
	v59 =	vadd.f32 v58, v61  }
0x3a: {  	v39 =	vadd.f32 v23, v61;
	v6 =	vnsel vm10, $0x0, v15;
	v11 =	vadd.f32 v11, v61  }
0x3b: {  	v47 =	vnsel vm8, $0x0, v19;
	v46 =	vadd.f32 v14, v61;
	v23 =	vadd.f32 v25, v61  }
0x3c: {  	v32 =	vadd.f32 v12, v61;
	v12 =	vsel vm7, $0x3F800000, v61;
	v27 =	vadd.f32 v26, v61  }
0x3d: {  	v26 =	vnsel vm6, $0x0, v15;
	v60 =	vadd.f32 v18, v61;
	v14 =	vadd.f32 v40, v61  }
0x3e: {  	v58 =	vnsel vm4, $0x0, v15;
	v41 =	vadd.f32 v33, v61;
	v49 =	vadd.f32 v42, v61  }
0x3f: {  	v57 =	vnsel vm10, $0x0, v19;
	v25 =	vadd.f32 v20, v61;
	v51 =	vadd.f32 v38, v61  }
0x40: {  	v44 =	vadd.f32 v21, v61;
	v33 =	vadd.f32 v36, v61;
	v52 =	vimm.f32 $0.0e+00  }
0x41: {  	v20 =	vimm.f32 $0.0e+00;
	v21 =	vimm.f32 $0.0e+00;
	v36 =	vimm.f32 $0.0e+00  }
0x42: {  	v53 =	vimm.f32 $0.0e+00;
	v50 =	vimm.f32 $0.0e+00;
	v40 =	vimm.f32 $0.0e+00  }
0x43: {  	[tilespmem:$0x1FFB0] =	vst v0;
	v42 =	vimm.f32 $0.0e+00;
	v18 =	vimm.f32 $0.0e+00;
	v24 =	vadd.f32 v24, v61  }
0x44: {  	v43 =	vadd.f32 v6, v61;
	v6 =	vnsel vm7, $0x0, v15;
	v48 =	vadd.f32 v26, v61;
	[tilespmem:$0x1FFC0] =	vst v54  }
0x45: {  	v12 =	vadd.f32 v12, v61;
	v38 =	vadd.f32 v47, v61;
	v26 =	vimm.f32 $0.0e+00;
	[tilespmem:$0x1FFD0] =	vst v56  }
0x46: {  	v47 =	vimm.f32 $0.0e+00;
	[tilespmem:$0x1FFE0] =	vst v59;
	v45 =	vadd.f32 v6, v61;
	v54 =	vsel vm10, $0x3F800000, v61  }
0x47: {  	s19 =	simm.s32 $0x40;
	[tilespmem:$0x1FFF0] =	vst v60;
	v59 =	vnsel vm5, $0x0, v15;
	v56 =	vnsel vm5, $0x0, v19;
	v15 =	vimm.f32 $0.0e+00  }
.LBB2_2:
0x48: {  	s20 =	sshra.s32 s19, $0x2;
	v52 =	vadd.f32 v58, v52;
	v0 =	vld [tilespmem:$0x1FFB0]  }
0x49: {  	v55 =	vsel vm4, $0x3F800000, v61;
	v20 =	vadd.f32 v31, v20;
	v26 =	vadd.f32 v54, v26;
	v58 =	vld [tilespmem:s20+$0x0]  }
0x4a: {  	v31 =	vsel vm5, $0x3F800000, v61;
	v47 =	vadd.f32 v57, v47;
	v53 =	vadd.f32 v59, v53  }
0x4b: {  	v60 =	vnsel vm3, $0x0, v19;
	v40 =	vadd.f32 v56, v40;
	v18 =	vadd.f32 v63, v18  }
0x4c: {  	v19 =	vnsel vm2, $0x0, v19;
	v21 =	vadd.f32 v55, v21;
	v15 =	vadd.f32 v31, v15  }
0x4d: {  	v54 =	vld [tilespmem:s20+$0x800];
	v50 =	vadd.f32 v19, v50;
	v42 =	vadd.f32 v60, v42  }
0x4e: {  	v55 =	vld [tilespmem:s20+$0x400];
	v36 =	vadd.f32 v0, v36;
	vm2 =	veq.s32 v58, $0x0;
	vm5 =	veq.s32 v58, $0x1  }
0x4f: {  	vm4 =	veq.s32 v58, $0xF;
	vm9 =	veq.s32 v58, $0x3;
	vm8 =	veq.s32 v58, $0x4  }
0x50: {  	vm7 =	veq.s32 v58, $0x6;
	vm6 =	veq.s32 v58, $0x7;
	vm10 =	veq.s32 v58, $0xA  }
0x51: {  	vm3 =	veq.s32 v58, $0x5;
	vm12 =	veq.s32 v58, $0xC;
	vm14 =	veq.s32 v58, $0xD  }
0x52: {  	v19 =	vmovc v54;
	vm13 =	veq.s32 v58, $0xE;
	vm11 =	veq.s32 v58, $0xB;
	v7 =	vsel vm5, $0x3F800000, v61  }
0x53: {  	v31 =	vnsel vm9, $0x0, v55;
	v30 =	vnsel vm9, $0x0, v19;
	v54 =	vnsel vm6, $0x0, v19  }
0x54: {  	v6 =	vsel vm6, $0x3F800000, v61;
	v3 =	vsel vm2, $0x3F800000, v61;
	v57 =	vsel vm8, $0x3F800000, v61  }
0x55: {  	v56 =	vnsel vm7, $0x0, v19;
	v59 =	vsel vm3, $0x3F800000, v61;
	v4 =	vsel vm14, $0x3F800000, v61  }
0x56: {  	v5 =	vnsel vm12, $0x0, v19;
	v60 =	vnsel vm4, $0x0, v55;
	v61 =	vnsel vm2, $0x0, v55  }
0x57: {  	v63 =	vnsel vm4, $0x0, v19;
	v8 =	vadd.f32 v7, v8;
	v7 =	vnsel vm5, $0x0, v19  }
0x58: {  	v10 =	vadd.f32 v3, v10;
	v17 =	vadd.f32 v30, v17;
	v30 =	vnsel vm14, $0x0, v55  }
0x59: {  	[tilespmem:$0x1FFB0] =	vst v5;
	v5 =	vadd.f32 v4, v62;
	v4 =	vimm.f32 $0.0e+00;
	v34 =	vadd.f32 v31, v34  }
0x5a: {  	v31 =	vnsel vm3, $0x0, v55;
	v29 =	vadd.f32 v60, v29;
	v9 =	vadd.f32 v59, v9  }
0x5b: {  	v60 =	vnsel vm13, $0x0, v55;
	v22 =	vadd.f32 v54, v22;
	v11 =	vadd.f32 v57, v11  }
0x5c: {  	v54 =	vnsel vm13, $0x0, v19;
	v46 =	vadd.f32 v61, v46;
	v32 =	vadd.f32 v56, v32  }
0x5d: {  	v2 =	vld [tilespmem:$0x1FFD0];
	v61 =	vimm.f32 $0.0e+00;
	v25 =	vadd.f32 v63, v25;
	v16 =	vadd.f32 v7, v16  }
0x5e: {  	v28 =	vadd.f32 v30, v28;
	v62 =	vsel vm12, $0x3F800000, v4;
	v1 =	vsel vm4, $0x3F800000, v4  }
0x5f: {  	v59 =	vld [tilespmem:$0x1FFC0];
	v35 =	vadd.f32 v31, v35;
	v31 =	vnsel vm14, $0x0, v19;
	vm4 =	veq.s32 v58, $0x9  }
0x60: {  	v7 =	vsel vm10, $0x3F800000, v4;
	v30 =	vnsel vm5, $0x0, v55;
	vm5 =	veq.s32 v58, $0x8  }
0x61: {  	v23 =	vadd.f32 v54, v23;
	v56 =	vsel vm7, $0x3F800000, v61;
	v44 =	vadd.f32 v60, v44  }
0x62: {  	v13 =	vadd.f32 v31, v13;
	v31 =	vsel vm13, $0x3F800000, v4;
	v2 =	vadd.f32 v7, v2  }
0x63: {  	v3 =	vnsel vm4, $0x0, v19;
	v51 =	vadd.f32 v30, v51;
	v12 =	vadd.f32 v56, v12  }
0x64: {  	v7 =	vnsel vm11, $0x0, v55;
	v24 =	vadd.f32 v3, v24;
	v3 =	vld [tilespmem:$0x1FFE0];
	v0 =	vadd.f32 v1, v59  }
0x65: {  	v1 =	vnsel vm10, $0x0, v55;
	v59 =	vnsel vm10, $0x0, v19;
	vm10 =	veq.s32 v58, $0x2  }
0x66: {  	v56 =	vnsel vm5, $0x0, v19;
	v37 =	vadd.f32 v7, v37;
	v58 =	vnsel vm10, $0x0, v55  }
0x67: {  	v7 =	vsel vm11, $0x3F800000, v4;
	[tilespmem:$0x1FFD0] =	vst v2;
	v2 =	vnsel vm11, $0x0, v19;
	v43 =	vadd.f32 v58, v43;
	v58 =	vld [tilespmem:$0x1FFF0]  }
0x68: {  	v33 =	vadd.f32 v2, v33;
	v39 =	vadd.f32 v1, v39;
	v1 =	vnsel vm8, $0x0, v55  }
0x69: {  	p1 =	sne.s32 s19, $0xFC0;
	v27 =	vadd.f32 v59, v27;
	v59 =	vnsel vm6, $0x0, v55;
	v3 =	vadd.f32 v7, v3  }
.Ltmp2:
0x6a: {  	v57 =	vnsel vm10, $0x0, v19;
	v54 =	vsel vm10, $0x3F800000, v61;
	v49 =	vadd.f32 v1, v49;
	(pc) =	sbr.rel @p1 .LBB2_2-.Ltmp2, $4  }
0x6b: {  	v48 =	vadd.f32 v59, v48;
	[tilespmem:$0x1FFE0] =	vst v3;
	v3 =	vsel vm9, $0x3F800000, v4;
	v4 =	vnsel vm7, $0x0, v55  }
0x6c: {  	[tilespmem:$0x1FFC0] =	vst v0;
	v0 =	vnsel vm12, $0x0, v55;
	v45 =	vadd.f32 v4, v45;
	v4 =	vadd.f32 v62, v58  }
0x6d: {  	v63 =	vmovc v6;
	v59 =	vnsel vm5, $0x0, v55;
	v7 =	vnsel vm8, $0x0, v19;
	v41 =	vadd.f32 v0, v41  }
0x6e: {  	s19 =	sadd.s32 $0x40, s19;
	v38 =	vadd.f32 v7, v38;
	v14 =	vadd.f32 v3, v14;
	v62 =	vmovc v5;
	v58 =	vnsel vm4, $0x0, v55;
	[tilespmem:$0x1FFF0] =	vst v4  }
0x6f: {  	(xrf2) =	vadd.scan.msk.f32 $0xffff, v46  }
0x70: {  	(xrf2) =	vadd.scan.msk.f32 $0xffff, v51  }
0x71: {  	(xrf2) =	vadd.scan.msk.f32 $0xffff, v43  }
0x72: {  	(xrf2) =	vadd.scan.msk.f32 $0xffff, v34  }
0x73: {  	(xrf2) =	vadd.scan.msk.f32 $0xffff, v49  }
0x74: {  	(xrf2) =	vadd.scan.msk.f32 $0xffff, v35  }
0x75: {  	v0 =	vadd.f32 v59, v53;
	(xrf2) =	vadd.scan.msk.f32 $0xffff, v45  }
0x76: {  	v1 =	vadd.f32 v58, v52;
	(xrf2) =	vadd.scan.msk.f32 $0xffff, v48  }
0x77: {  	(xrf2) =	vadd.scan.msk.f32 $0xffff, v0  }
0x78: {  	(xrf2) =	vadd.scan.msk.f32 $0xffff, v1  }
0x79: {  	v52, _, _ =	vpop (xrf2);
	(xrf2) =	vadd.scan.msk.f32 $0xffff, v39  }
0x7a: {  	v53, _, _ =	vpop (xrf2);
	(xrf2) =	vadd.scan.msk.f32 $0xffff, v37  }
0x7b: {  	v2, _, _ =	vpop (xrf2);
	(xrf2) =	vadd.scan.msk.f32 $0xffff, v41  }
0x7c: {  	v3 =	vnsel vm2, $0x0, v19;
	v7, _, _ =	vpop (xrf2);
	(xrf2) =	vadd.scan.msk.f32 $0xffff, v28  }
0x7d: {  	v3 =	vadd.f32 v3, v50;
	v0 =	vbroadcast v52, $0xF;
	v55, _, _ =	vpop (xrf2);
	(xrf2) =	vadd.scan.msk.f32 $0xffff, v44  }
0x7e: {  	v30, _, _ =	vpop (xrf2);
	(xrf2) =	vadd.scan.msk.f32 $0xffff, v29  }
0x7f: {  	v58 =	vadd.f32 v57, v47;
	v1 =	vbroadcast v53, $0xF;
	v0 =	vnsel vm0, $0x0, v0;
	v59, _, _ =	vpop (xrf2);
	(xrf2) =	vadd.scan.msk.f32 $0xffff, v3  }
0x80: {  	v0 =	vadd.f32 $0.0e+00, v0;
	v60, _, _ =	vpop (xrf2);
	(xrf2) =	vadd.scan.msk.f32 $0xffff, v16  }
0x81: {  	v37 =	vnsel vm3, $0x0, v19;
	v2 =	vbroadcast v2, $0xF;
	v1 =	vnsel vm1, $0x0, v1;
	v39, _, _ =	vpop (xrf2);
	(xrf2) =	vadd.scan.msk.f32 $0xffff, v58  }
0x82: {  	vm2 =	vcmask $0xB08;
	v0 =	vadd.f32 v1, v0;
	v16 =	vadd.f32 v37, v42;
	v41, _, _ =	vpop (xrf2);
	(xrf2) =	vadd.scan.msk.f32 $0xffff, v17  }
0x83: {  	v4 =	vld [tilespmem:$0x1FFB0];
	v7 =	vbroadcast v7, $0xF;
	v2 =	vnsel vm2, $0x0, v2;
	v42, _, _ =	vpop (xrf2);
	(xrf2) =	vadd.scan.msk.f32 $0xffff, v38  }
0x84: {  	vm3 =	vcmask $0xF0C;
	v0 =	vadd.f32 v2, v0;
	v43, _, _ =	vpop (xrf2);
	(xrf2) =	vadd.scan.msk.f32 $0xffff, v16  }
0x85: {  	v44 =	vadd.f32 v56, v40;
	v28 =	vbroadcast v55, $0xF;
	v7 =	vnsel vm3, $0x0, v7;
	v45, _, _ =	vpop (xrf2);
	(xrf2) =	vadd.scan.msk.f32 $0xffff, v32  }
0x86: {  	vm6 =	vcmask $0x1310;
	v0 =	vadd.f32 v7, v0;
	v46, _, _ =	vpop (xrf2);
	(xrf2) =	vadd.scan.msk.f32 $0xffff, v22  }
0x87: {  	v48 =	vbroadcast v30, $0xF;
	v47 =	vnsel vm6, $0x0, v28;
	v49, _, _ =	vpop (xrf2);
	(xrf2) =	vadd.scan.msk.f32 $0xffff, v44  }
0x88: {  	vm7 =	vcmask $0x1714;
	v50 =	vadd.f32 v4, v36;
	v0 =	vadd.f32 v47, v0;
	v16, _, _ =	vpop (xrf2);
	(xrf2) =	vadd.scan.msk.f32 $0xffff, v24  }
0x89: {  	v52 =	vbroadcast v59, $0xF;
	v51 =	vnsel vm7, $0x0, v48;
	v3 =	vbroadcast v60, $0xF;
	v53, _, _ =	vpop (xrf2);
	(xrf2) =	vadd.scan.msk.f32 $0xffff, v27  }
0x8a: {  	vm8 =	vcmask $0x1B18;
	vm9 =	vcmask $0x1F1C;
	v0 =	vadd.f32 v51, v0;
	v55, _, _ =	vpop (xrf2);
	(xrf2) =	vadd.scan.msk.f32 $0xffff, v33  }
0x8b: {  	v56 =	vnsel vm8, $0x0, v52;
	v3 =	vnsel vm9, $0x0, v3;
	v57, _, _ =	vpop (xrf2);
	(xrf2) =	vadd.scan.msk.f32 $0xffff, v50  }
0x8c: {  	v0 =	vadd.f32 v56, v0;
	v58, _, _ =	vpop (xrf2);
	(xrf2) =	vadd.scan.msk.f32 $0xffff, v13  }
0x8d: {  	v60, _, _ =	vpop (xrf2);
	(xrf2) =	vadd.scan.msk.f32 $0xffff, v23  }
0x8e: {  	v59 =	vbroadcast v39, $0xF;
	v0 =	vadd.f32 v3, v0;
	v3, _, _ =	vpop (xrf2);
	(xrf2) =	vadd.scan.msk.f32 $0xffff, v25  }
0x8f: {  	vm10 =	vcmask $0x2320;
	v17 =	vbroadcast v42, $0xF;
	v23, _, _ =	vpop (xrf2);
	(xrf2) =	vadd.scan.msk.f32 $0xffff, v10  }
0x90: {  	v5 =	vadd.f32 v54, v26;
	v1 =	vbroadcast v41, $0xF;
	v13 =	vnsel vm10, $0x0, v59;
	v10, _, _ =	vpop (xrf2)  }
0x91: {  	vm11 =	vcmask $0x2724;
	vm12 =	vcmask $0x2B28;
	v0 =	vadd.f32 v13, v0;
	(xrf2) =	vadd.scan.msk.f32 $0xffff, v8;
	v25, _, _ =	vpop (xrf2)  }
0x92: {  	v1 =	vnsel vm11, $0x0, v1;
	v27 =	vnsel vm12, $0x0, v17;
	v8, _, _ =	vpop (xrf2)  }
0x93: {  	v20 =	vadd.f32 v31, v20;
	vm13 =	vcmask $0x3734;
	v0 =	vadd.f32 v1, v0;
	(xrf2) =	vadd.scan.msk.f32 $0xffff, v5;
	v17, _, _ =	vpop (xrf2)  }
0x94: {  	vm14 =	vcmask $0x3B38;
	v35 =	vsel vm5, $0x3F800000, v61;
	vm5 =	vcmask $0x3330;
	v13, _, _ =	vpop (xrf2)  }
0x95: {  	v41 =	vadd.f32 v63, v18;
	v34 =	vbroadcast v45, $0xF;
	v0 =	vadd.f32 v27, v0;
	(xrf2) =	vadd.scan.msk.f32 $0xffff, v14;
	v27, _, _ =	vpop (xrf2)  }
0x96: {  	v2 =	vbroadcast v43, $0xF;
	v7 =	vbroadcast v46, $0xF;
	v33 =	vsel vm4, $0x3F800000, v61;
	v29, _, _ =	vpop (xrf2)  }
0x97: {  	v36 =	vnsel vm5, $0x0, v34;
	v38 =	vbroadcast v49, $0xF;
	v1 =	vadd.f32 v33, v21;
	v21, _, _ =	vpop (xrf2);
	(xrf2) =	vadd.scan.msk.f32 $0xffff, v11  }
0x98: {  	v37 =	vnsel vm13, $0x0, v7;
	vm4 =	vcmask $0x2F2C;
	v43 =	vbroadcast v55, $0xF;
	v11, _, _ =	vpop (xrf2)  }
0x99: {  	v39 =	vbroadcast v53, $0xF;
	v7 =	vnsel vm14, $0x0, v38;
	v2 =	vnsel vm4, $0x0, v2;
	(xrf2) =	vadd.scan.msk.f32 $0xffff, v9;
	v40, _, _ =	vpop (xrf2)  }
0x9a: {  	v47 =	vbroadcast v57, $0xF;
	v18 =	vnsel vm1, $0x0, v43;
	v42 =	vbroadcast v40, $0xF  }
0x9b: {  	v14 =	vadd.f32 v35, v15;
	v15 =	vnsel vm0, $0x0, v39;
	v0 =	vadd.f32 v2, v0;
	(xrf2) =	vadd.scan.msk.f32 $0xffff, v12;
	v44, _, _ =	vpop (xrf2)  }
0x9c: {  	v45 =	vadd.f32 $0.0e+00, v15;
	v46 =	vbroadcast v44, $0xF;
	v2 =	vnsel vm0, $0x0, v42  }
0x9d: {  	v22 =	vbroadcast v58, $0xF;
	v52 =	vnsel vm2, $0x0, v47;
	(xrf2) =	vadd.scan.msk.f32 $0xffff, v41;
	v48, _, _ =	vpop (xrf2);
	v2 =	vadd.f32 $0.0e+00, v2  }
0x9e: {  	v49 =	vadd.f32 v18, v45;
	v18 =	vld [tilespmem:$0x1FFD0];
	v51 =	vbroadcast v48, $0xF;
	v50 =	vnsel vm1, $0x0, v46  }
0x9f: {  	v56 =	vbroadcast v60, $0xF;
	v55 =	vnsel vm3, $0x0, v22;
	(xrf2) =	vadd.scan.msk.f32 $0xffff, v14;
	v53, _, _ =	vpop (xrf2);
	v2 =	vadd.f32 v50, v2  }
0xa0: {  	v5 =	vld [tilespmem:$0x1FFE0];
	v9 =	vadd.f32 v52, v49;
	v12 =	vbroadcast v53, $0xF;
	v54 =	vnsel vm2, $0x0, v51  }
0xa1: {  	v3 =	vbroadcast v3, $0xF;
	v63 =	vnsel vm6, $0x0, v56;
	v2 =	vadd.f32 v54, v2;
	v57, _, _ =	vpop (xrf2);
	(xrf2) =	vadd.scan.msk.f32 $0xffff, v1  }
0xa2: {  	v6 =	vld [tilespmem:$0x1FFF0];
	v58 =	vadd.f32 v55, v9;
	v59 =	vnsel vm3, $0x0, v12;
	v60 =	vbroadcast v57, $0xF  }
0xa3: {  	v22 =	vbroadcast v23, $0xF;
	v3 =	vnsel vm7, $0x0, v3;
	v15, _, _ =	vpop (xrf2);
	(xrf2) =	vadd.scan.msk.f32 $0xffff, v18;
	v2 =	vadd.f32 v59, v2  }
0xa4: {  	v1 =	vadd.f32 v63, v58;
	v9 =	vbroadcast v15, $0xF;
	v19 =	vnsel vm6, $0x0, v60  }
0xa5: {  	v28 =	vbroadcast v10, $0xF;
	v26 =	vnsel vm8, $0x0, v22;
	v23, _, _ =	vpop (xrf2);
	(xrf2) =	vadd.scan.msk.f32 $0xffff, v5;
	v2 =	vadd.f32 v19, v2  }
0xa6: {  	v1 =	vadd.f32 v3, v1;
	v4 =	vbroadcast v23, $0xF;
	v24 =	vnsel vm7, $0x0, v9  }
0xa7: {  	v32 =	vbroadcast v25, $0xF;
	v31 =	vnsel vm9, $0x0, v28;
	v30, _, _ =	vpop (xrf2);
	(xrf2) =	vadd.scan.msk.f32 $0xffff, v6;
	v2 =	vadd.f32 v24, v2  }
0xa8: {  	v1 =	vadd.f32 v26, v1;
	v3 =	vbroadcast v30, $0xF;
	v4 =	vnsel vm8, $0x0, v4  }
0xa9: {  	v35 =	vbroadcast v8, $0xF;
	v34 =	vnsel vm10, $0x0, v32;
	v33, _, _ =	vpop (xrf2);
	(xrf2) =	vadd.scan.msk.f32 $0xffff, v62;
	v2 =	vadd.f32 v4, v2  }
0xaa: {  	v43 =	vld [tilespmem:$0x1FFC0];
	v1 =	vadd.f32 v31, v1;
	v3 =	vnsel vm9, $0x0, v3;
	v4 =	vbroadcast v33, $0xF  }
0xab: {  	v38 =	vbroadcast v17, $0xF;
	v0 =	vadd.f32 v36, v0;
	v2 =	vadd.f32 v3, v2;
	v36, _, _ =	vpop (xrf2);
	(xrf2) =	vadd.scan.msk.f32 $0xffff, v20  }
0xac: {  	v1 =	vadd.f32 v34, v1;
	v4 =	vnsel vm10, $0x0, v4;
	v3 =	vbroadcast v36, $0xF  }
0xad: {  	v0 =	vadd.f32 v37, v0;
	v6 =	vnsel vm11, $0x0, v35;
	v37, _, _ =	vpop (xrf2);
	v2 =	vadd.f32 v4, v2  }
0xae: {  	v1 =	vadd.f32 v6, v1;
	v39 =	vbroadcast v37, $0xF;
	v3 =	vnsel vm11, $0x0, v3  }
0xaf: {  	v40 =	vnsel vm12, $0x0, v38;
	v41 =	vbroadcast v13, $0xF;
	(xrf2) =	vadd.scan.msk.f32 $0xffff, v43;
	v42, _, _ =	vpop (xrf2);
	v2 =	vadd.f32 v3, v2  }
0xb0: {  	v1 =	vadd.f32 v40, v1;
	v4 =	vnsel vm12, $0x0, v39;
	v3 =	vbroadcast v42, $0xF  }
0xb1: {  	v45 =	vbroadcast v27, $0xF;
	v6 =	vnsel vm4, $0x0, v41;
	v44, _, _ =	vpop (xrf2);
	v2 =	vadd.f32 v4, v2  }
0xb2: {  	v1 =	vadd.f32 v6, v1;
	v46 =	vbroadcast v44, $0xF;
	v3 =	vnsel vm4, $0x0, v3  }
0xb3: {  	v49 =	vbroadcast v29, $0xF;
	v48 =	vnsel vm5, $0x0, v45;
	v47, _, _ =	vpop (xrf2);
	v2 =	vadd.f32 v3, v2  }
0xb4: {  	v51 =	vbroadcast v47, $0xF;
	v1 =	vadd.f32 v48, v1;
	v50 =	vnsel vm5, $0x0, v46  }
0xb5: {  	v53 =	vnsel vm13, $0x0, v49;
	v54 =	vbroadcast v21, $0xF;
	v52, _, _ =	vpop (xrf2);
	v2 =	vadd.f32 v50, v2  }
0xb6: {  	v55 =	vnsel vm13, $0x0, v51;
	v1 =	vadd.f32 v53, v1;
	v56 =	vbroadcast v52, $0xF  }
0xb7: {  	v0 =	vadd.f32 v7, v0;
	v57 =	vnsel vm14, $0x0, v54;
	v2 =	vadd.f32 v55, v2  }
0xb8: {  	v58 =	vsel vm15, $0x0, v16;
	v1 =	vadd.f32 v57, v1;
	v4 =	vnsel vm14, $0x0, v56  }
0xb9: {  	v0 =	vadd.f32 v0, v58;
	v59 =	vsel vm15, $0x0, v11;
	v60, _, _ =	vpop (xrf2);
	v2 =	vadd.f32 v4, v2  }
0xba: {  	v1 =	vadd.f32 v1, v59;
	v62 =	vsel vm15, $0x0, v60  }
0xbb: {  	[tilespmem:$0xC00] =	vst v0;
	v63 =	vadd.f32 v2, v62  }
0xbc: {  	[tilespmem:$0xC10] =	vst v1  }
0xbd: {  	[tilespmem:$0xC20] =	vst v63  }
0xbe: {  	[spmem:s7] =	stream.linear.scatter [tilespmem:s13], [sflag:$0x2], $0x30, $0x38;
	[tilespmem:$0xEB0] =	vst v63  }
.Ltmp3:
0xbf: {  	_ =	swait.ge [sflag:s14], $0x30;
	(pc) =	sbr.rel @p0 .LBB2_5-.Ltmp3, $3  }
0xc0: {  	[sflag:s14] =	ssyncset.done $0x0  }
0xc1: {  	[sflag:s14] =	ssyncadd.s32 $0xFFFFFFD0  }
0xc2: {  	[bflag:$0x0] =	sbarrier.arrive $0xFFFF;
	_ =	sdelay $0x1  }
0xc3: {  	[tilespmem:s15], [sflag:$0x2] =	stream.linear.gather [spmem:s7], $0xC0, $0x38;
	[tilespmem:$0xEB0] =	vst v63  }
0xc4: {  	_ =	swait.ge [sflag:s14], $0xC0  }
0xc5: {  	[sflag:s14] =	ssyncset.done $0x0  }
0xc6: {  	[sflag:s14] =	ssyncadd.s32 $0xFFFFFF40  }
0xc7: {  	[tilespmem:s16], [sflag:$0x2] =	stream.linear.gather [hbm4b:s2+s3], $0x80, $0x38;
	[tilespmem:$0xEB0] =	vst v63  }
0xc8: {  	_ =	swait.ge [sflag:s14], $0x80  }
0xc9: {  	[sflag:s14] =	ssyncset.done $0x0  }
0xca: {  	[sflag:s14] =	ssyncadd.s32 $0xFFFFFF80  }
0xcb: {  	v0 =	vld [tilespmem:$0xCA0]  }
0xcc: {  	v1 =	vld [tilespmem:$0xCD0];
	_ =	sdelay $0x1  }
0xcd: {  	v2 =	vld [tilespmem:$0xD00];
	_ =	sdelay $0x1  }
0xce: {  	v3 =	vld [tilespmem:$0xD30]  }
0xcf: {  	v0 =	vadd.f32 v1, v0;
	_ =	sdelay $0x1  }
0xd0: {  	v0 =	vadd.f32 v2, v0  }
0xd1: {  	v43 =	vld [tilespmem:$0xC80]  }
0xd2: {  	v44 =	vld [tilespmem:$0xCB0];
	v0 =	vadd.f32 v3, v0  }
0xd3: {  	v45 =	vld [tilespmem:$0xC90]  }
0xd4: {  	v4 =	vld [tilespmem:$0xCC0];
	v0 =	vmax.f32 v0, $1.000000000e+00  }
0xd5: {  	v46 =	vld [tilespmem:$0xCE0];
	(erf) = vrcp.f32 v0  }
0xd6: {  	v5 =	vld [tilespmem:$0xCF0]  }
0xd7: {  	v6 =	vld [tilespmem:$0xD10]  }
0xd8: {  	v47 =	vld [tilespmem:$0xD20]  }
0xd9: {  	v48 =	vld [tilespmem:$0xD80];
	v1 =	vadd.f32 v44, v43;
	v3 =	vadd.f32 v4, v45;
	_ =	sdelay $0x1  }
0xda: {  	v49 =	vadd.f32 v5, v3;
	v0 =	vadd.f32 v46, v1;
	_ =	sdelay $0x1  }
0xdb: {  	v1 =	vadd.f32 v47, v49;
	v0 =	vadd.f32 v6, v0  }
0xdc: {  	v51 =	vbroadcast v48, $0x0;
	v52 =	vbroadcast v48, $0x1;
	v50 =	vpop (erf)  }
0xdd: {  	v0 =	vmul.f32 v50, v0;
	v1 =	vmul.f32 v50, v1;
	_ =	sdelay $0x1  }
0xde: {  	v0 =	vadd.f32 v0, v51;
	v1 =	vadd.f32 v1, v52;
	_ =	sdelay $0x1  }
0xdf: {  	v2 =	vmax.f32 v0, v1  }
0xe0: {  	v3 =	vsub.f32 v0, v2  }
0xe1: {  	v2 =	vsub.f32 v1, v2  }
0xe2: {  	v3 =	vmul.f32 $1.442695020e+00, v3  }
0xe3: {  	v2 =	vmul.f32 $1.442695020e+00, v2  }
0xe4: {  	(erf) = vpow2.f32 v3  }
0xe5: {  	(erf) = vpow2.f32 v2;
	_ =	sdelay $0x7  }
0xe6: {  	v53 =	vpop (erf)  }
0xe7: {  	v54 =	vpop (erf)  }
0xe8: {  	v3 =	vadd.f32 v54, v53;
	_ =	sdelay $0x1  }
0xe9: {  	(erf) = vrcp.f32 v3;
	_ =	sdelay $0x8  }
0xea: {  	v3 =	vpop (erf)  }
0xeb: {  	v2 =	vmul.f32 v3, v53;
	_ =	sdelay $0x1  }
0xec: {  	v2 =	vsub.f32 $1.000000000e+00, v2;
	_ =	sdelay $0x1  }
0xed: {  	(xrf0) =	vmax.scan.msk.f32 $0xffff, v2;
	_ =	sdelay $0x5  }
0xee: {  	v55, _, _ =	vpop (xrf0)  }
0xef: {  	(v2sf) =	vpush v55, $0xF;
	_ =	sdelay $0x5  }
0xf0: {  	(xrf0) =	vmin.scan.msk.f32 $0xffff, v2;
	_ =	sdelay $0x5  }
0xf1: {  	v56, _, _ =	vpop (xrf0)  }
0xf2: {  	v3 =	vbroadcast v55, $0xF;
	v4 =	vbroadcast v56, $0xF;
	_ =	sdelay $0x1  }
0xf3: {  	vm2 =	veq.f32 v2, v3;
	vm3 =	veq.f32 v2, v4;
	s19 =	spop (v2sf)  }
0xf4: {  	v57 =	vmctz.xlane vm2;
	v58 =	vmctz.xlane vm3;
	p1 =	slt.f32 s19, $8.000000110e-01;
	_ =	sdelay $0x1  }
0xf5: {  	v59 =	vlaneseq.u32;
	v2 =	vpsel p1, v58, v57  }
0xf6: {  	vm2 =	veq.s32 v2, v59  }
0xf7: {  	v0 =	vnsel vm2, $0x0, v0  }
0xf8: {  	v60 =	vnsel vm2, $0x0, v1;
	(xrf2) =	vadd.scan.msk.f32 $0xffff, v0  }
0xf9: {  	(xrf2) =	vadd.scan.msk.f32 $0xffff, v60;
	_ =	sdelay $0x8  }
0xfa: {  	v62, _, _ =	vpop (xrf2)  }
0xfb: {  	v63, _, _ =	vpop (xrf2)  }
0xfc: {  	v0 =	vbroadcast v62, $0xF;
	v1 =	vbroadcast v63, $0xF;
	_ =	sdelay $0x1  }
0xfd: {  	v0 =	vnsel vm0, $0x0, v0;
	v1 =	vnsel vm1, $0x0, v1  }
0xfe: {  	v0 =	vadd.f32 v1, v0;
	_ =	sdelay $0x1  }
.Ltmp4:
0xff: {  	[tilespmem:$0xE00] =	vst v0;
	(pc) =	sbr.rel .LBB2_5-.Ltmp4, $4  }
0x100: {  	[hbm4b:s8+s3] =	stream.linear.scatter [tilespmem:s17], [sflag:$0x2], $0x10, $0x38;
	[tilespmem:$0xEB0] =	vst v63  }
0x101: {  	_ =	swait.ge [sflag:s14], $0x10  }
0x102: {  	[sflag:s14] =	ssyncset.done $0x0  }
0x103: {  	[sflag:s14] =	ssyncadd.s32 $0xFFFFFFF0  }
.LBB2_6:
0x104: {  	_ =	sfence.sel $0x180000  }
0x105: {  	[bflag:$0x0] =	sbarrier.arrive $0xFFFF  }
0x106: {  	p0 =	sne.s32 s1, $0x0;
	_ =	strace $0x90000047  }
0x107: {  	s0 =	sadd.s32 @!p0 $0x100000, s0;
	[bflag:$0x2] =	sbarrier.arrive $0xFFFF  }
0x108: {  	[sflag:s0] =	ssyncadd.tile.s32 @!p0 $0x1;
	_ =	shalt  }
.Lfunc_end2:
_tile_overlayer_lowered:
.L_overlay_start_2:
0x109: {  	(tag) =	ssettag $0x2  }
0x10a: {  	s0 =	rddreg [dreg:$0x0];
	s2 =	stileid.u32  }
0x10b: {  	s1 =	rddreg [dreg:$0x1];
	p0 =	sne.s32 s2, $0x0  }
0x10c: {  	s3 =	rddreg [dreg:$0x2];
	[bflag:$0x3] =	sbarrier.arrive $0xFFFF;
	s2 =	simm.s32 @!p0 $0x1C02  }
0x10d: {  	[timem:s3], [sflag:s2] =	dma.local @!p0 [hbm:s0], s1  }
0x10e: {  	s0 =	simm.s32 @!p0 $0x2  }
0x10f: {  	_ =	swait.ge @!p0 [sflag:s0], s1  }
0x110: {  	s1 =	ssub.s32 @!p0 $0x0, s1;
	[sflag:s0] =	ssyncset.done @!p0 $0x0  }
0x111: {  	[sflag:s0] =	ssyncadd.s32 @!p0 s1  }
0x112: {  	[bflag:$0x3] =	sbarrier.arrive $0xFFFF  }
0x113: {  	_ =	shalt  }

</sc_bundles>
